<compile_context>
chip_gen: v7x
topology: tpu7x:2x2x1
jax: 0.10.2.dev20260603
libtpu: 0.0.44.dev20260713+nightly
codegen_flags: <defaults>
</compile_context>

<pallas_src>
import jax
import jax.numpy as jnp
from jax import lax
from jax.experimental import pallas as pl
from jax.experimental.pallas import tpu as pltpu
from jax.experimental.pallas import tpu_sc as plsc

R, V = 128, 100000
NEG = -3.4e38

VS_TC = 76000
T = 20
CR = VS_TC // T
K = 6

NC, NS, L = 1, 16, 16
NW = NC * NS
VS_SC = V - VS_TC
SHARD = VS_SC // NW
CH = 125
NCH = SHARD // CH
G = R // L


def _tc_body(xt_hbm, o_ref, *scratch):
    bufs = scratch[:K]
    sems = scratch[K:]

    def issue(t):
        return pltpu.make_async_copy(
            xt_hbm.at[pl.ds(t * CR, CR), :], bufs[t % K], sems[t % K])

    cps = [issue(t) for t in range(K)]
    for cp in cps:
        cp.start()
    acc = jnp.full((R,), NEG, jnp.float32)
    for t in range(T):
        cps[t % K].wait()
        acc = jnp.maximum(acc, jnp.max(bufs[t % K][...], axis=0))
        if t + K < T:
            cps[t % K] = issue(t + K)
            cps[t % K].start()
    o_ref[0, :] = acc


def _sc_body(x_hbm, out_hbm, buf0, buf1, out_v, merge_v, shared, sem0, sem1):
    c = lax.axis_index("c")
    s = lax.axis_index("s")
    wid = s * NC + c
    base = VS_TC * R + wid * SHARD * R
    bufs = (buf0, buf1)
    sems = (sem0, sem1)

    def issue(k):
        off = pl.multiple_of(base + k * CH * R, 8)
        return pltpu.async_copy(
            x_hbm.at[pl.ds(off, CH * R)], bufs[k % 2], sems[k % 2])

    cps = [issue(0), None]
    accs = tuple(jnp.full((L,), NEG, jnp.float32) for _ in range(G))
    for k in range(NCH):
        if k + 1 < NCH:
            cps[(k + 1) % 2] = issue(k + 1)
        cps[k % 2].wait()
        buf = bufs[k % 2]

        def body(i, a, buf=buf):
            out = list(a)
            for g in range(G):
                out[g] = jnp.maximum(out[g], buf[pl.ds(i * R + g * L, L)])
            return tuple(out)

        accs = lax.fori_loop(0, CH, body, accs)

    for g in range(G):
        out_v[pl.ds(g * L, L)] = accs[g]
    pltpu.sync_copy(out_v, shared.at[pl.ds(s * R, R)])
    plsc.subcore_barrier()

    @pl.when(s == 0)
    def _():
        pltpu.sync_copy(shared, merge_v)
        m = tuple(merge_v[pl.ds(g * L, L)] for g in range(G))

        def mbody(i, mm):
            out = list(mm)
            for g in range(G):
                out[g] = jnp.maximum(out[g], merge_v[pl.ds(i * R + g * L, L)])
            return tuple(out)

        mm = lax.fori_loop(1, NS, mbody, m)
        for g in range(G):
            out_v[pl.ds(g * L, L)] = mm[g]
        pltpu.sync_copy(out_v, out_hbm.at[pl.ds(c * R, R)])


def kernel(X):
    Xt = X.T
    sc_call = pl.kernel(
        _sc_body,
        out_type=jax.ShapeDtypeStruct((NC * R,), jnp.float32),
        mesh=plsc.VectorSubcoreMesh(core_axis_name="c", subcore_axis_name="s", num_cores=NC),
        scratch_types=[
            pltpu.VMEM((CH * R,), jnp.float32),
            pltpu.VMEM((CH * R,), jnp.float32),
            pltpu.VMEM((R,), jnp.float32),
            pltpu.VMEM((NS * R,), jnp.float32),
            pltpu.VMEM_SHARED((NS * R,), jnp.float32),
            pltpu.SemaphoreType.DMA,
            pltpu.SemaphoreType.DMA,
        ],
        compiler_params=pltpu.CompilerParams(needs_layout_passes=False),
    )
    sc_pair = sc_call(Xt.reshape(-1)).reshape(NC, R)

    tc_out = pl.pallas_call(
        _tc_body,
        in_specs=[pl.BlockSpec(memory_space=pl.ANY)],
        out_specs=pl.BlockSpec(memory_space=pltpu.MemorySpace.VMEM),
        out_shape=jax.ShapeDtypeStruct((1, R), jnp.float32),
        scratch_shapes=(
            [pltpu.VMEM((CR, R), jnp.float32) for _ in range(K)]
            + [pltpu.SemaphoreType.DMA for _ in range(K)]
        ),
    )(Xt)

    out = tc_out[0]
    for i in range(NC):
        out = jnp.maximum(out, sc_pair[i])
    return out

# --- scband reference (transcript-rebuilt; emitter-appended) ---
"""Pipeline reference for scband-max-the-layer-9663676416347 (READ-ONLY COPY).

The authoritative reference and input builder live on the scoring server;
editing this copy changes nothing except your own understanding.
"""

import jax, jax.numpy as jnp
import numpy as np


def setup_inputs(seed: int = 0) -> dict:
    key = jax.random.key(seed)
    X = jax.random.normal(key, (128, 100000), dtype=jnp.float32)
    return {"X": X}


def reference(X):
    # MaxTheLayer.forward with return_log_likelihood=False:
    # max over the last dimension, returning max values only.
    max_val = jnp.max(X, axis=-1)
    return max_val

if __name__ == "__main__":
    import jax
    _d = setup_inputs()
    print(jax.jit(kernel)(*tuple(_d.values())))

</pallas_src>

<mosaic_0001>
#map = affine_map<(d0, d1) -> (0)>
module attributes {stable_mosaic.version = 14 : i64} {
  func.func @_sc_body(%arg0: i32, %arg1: i32, %arg2: memref<12800000xf32, #tpu.memory_space<hbm>>, %arg3: memref<128xf32, #tpu.memory_space<hbm>>, %arg4: memref<16000xf32, #tpu.memory_space<vmem>>, %arg5: memref<16000xf32, #tpu.memory_space<vmem>>, %arg6: memref<128xf32, #tpu.memory_space<vmem>>, %arg7: memref<2048xf32, #tpu.memory_space<vmem>>, %arg8: memref<2048xf32, #tpu.memory_space<vmem_shared>>, %arg9: memref<!tpu.dma_semaphore, #tpu.memory_space<semaphore_mem>>, %arg10: memref<!tpu.dma_semaphore, #tpu.memory_space<semaphore_mem>>) attributes {dimension_semantics = [#tpu.dimension_semantics<core_parallel>, #tpu.dimension_semantics<subcore_parallel>], iteration_bounds = array<i64: 1, 16>, scalar_prefetch = 0 : i64, scratch_operands = 7 : i64, tpu.core_type = #tpu.core_type<sc_vector_subcore>, window_params = [{transform_indices = #map}, {transform_indices = #map}]} {
    %mul3A = arith.constant 1 : i32
    %mul3A_0 = arith.muli %arg1, %mul3A : i32
    %add3A = arith.addi %mul3A_0, %arg0 : i32
    %mul3A_1 = arith.constant 1500 : i32
    %mul3A_2 = arith.muli %add3A, %mul3A_1 : i32
    %mul3A_3 = arith.constant 128 : i32
    %mul3A_4 = arith.muli %mul3A_2, %mul3A_3 : i32
    %add3A_5 = arith.constant 9728000 : i32
    %add3A_6 = arith.addi %add3A_5, %mul3A_4 : i32
    %add3A_7 = arith.constant 0 : i32
    %add3A_8 = arith.addi %add3A_6, %add3A_7 : i32
    %multiple_of3A = tpu.assume_multiple %add3A_8, 8 : i32
    %dma_start3A = tpu.memref_slice %arg2[%multiple_of3A] : memref<12800000xf32, #tpu.memory_space<hbm>> -> memref<16000xf32, #tpu.memory_space<hbm>>
    %dma_start3A_9 = tpu.memref_slice %arg2[%multiple_of3A] : memref<12800000xf32, #tpu.memory_space<hbm>> -> memref<16000xf32, #tpu.memory_space<hbm>>
    tpu.enqueue_dma source(%dma_start3A_9 : memref<16000xf32, #tpu.memory_space<hbm>>) target(%arg4 : memref<16000xf32, #tpu.memory_space<vmem>>) target_semaphore(%arg9 : memref<!tpu.dma_semaphore, #tpu.memory_space<semaphore_mem>>)
    %broadcast_in_dim3A = arith.constant -3.400000e+38 : f32
    %broadcast_in_dim3A_10 = vector.broadcast %broadcast_in_dim3A : f32 to vector<16xf32>
    %broadcast_in_dim3A_11 = arith.constant -3.400000e+38 : f32
    %broadcast_in_dim3A_12 = vector.broadcast %broadcast_in_dim3A_11 : f32 to vector<16xf32>
    %broadcast_in_dim3A_13 = arith.constant -3.400000e+38 : f32
    %broadcast_in_dim3A_14 = vector.broadcast %broadcast_in_dim3A_13 : f32 to vector<16xf32>
    %broadcast_in_dim3A_15 = arith.constant -3.400000e+38 : f32
    %broadcast_in_dim3A_16 = vector.broadcast %broadcast_in_dim3A_15 : f32 to vector<16xf32>
    %broadcast_in_dim3A_17 = arith.constant -3.400000e+38 : f32
    %broadcast_in_dim3A_18 = vector.broadcast %broadcast_in_dim3A_17 : f32 to vector<16xf32>
    %broadcast_in_dim3A_19 = arith.constant -3.400000e+38 : f32
    %broadcast_in_dim3A_20 = vector.broadcast %broadcast_in_dim3A_19 : f32 to vector<16xf32>
    %broadcast_in_dim3A_21 = arith.constant -3.400000e+38 : f32
    %broadcast_in_dim3A_22 = vector.broadcast %broadcast_in_dim3A_21 : f32 to vector<16xf32>
    %broadcast_in_dim3A_23 = arith.constant -3.400000e+38 : f32
    %broadcast_in_dim3A_24 = vector.broadcast %broadcast_in_dim3A_23 : f32 to vector<16xf32>
    %add3A_25 = arith.constant 16000 : i32
    %add3A_26 = arith.addi %add3A_6, %add3A_25 : i32
    %multiple_of3A_27 = tpu.assume_multiple %add3A_26, 8 : i32
    %dma_start3A_28 = tpu.memref_slice %arg2[%multiple_of3A_27] : memref<12800000xf32, #tpu.memory_space<hbm>> -> memref<16000xf32, #tpu.memory_space<hbm>>
    %dma_start3A_29 = tpu.memref_slice %arg2[%multiple_of3A_27] : memref<12800000xf32, #tpu.memory_space<hbm>> -> memref<16000xf32, #tpu.memory_space<hbm>>
    tpu.enqueue_dma source(%dma_start3A_29 : memref<16000xf32, #tpu.memory_space<hbm>>) target(%arg5 : memref<16000xf32, #tpu.memory_space<vmem>>) target_semaphore(%arg10 : memref<!tpu.dma_semaphore, #tpu.memory_space<semaphore_mem>>)
    %dma_wait3A = tpu.memref_slice %arg2[%multiple_of3A] : memref<12800000xf32, #tpu.memory_space<hbm>> -> memref<16000xf32, #tpu.memory_space<hbm>>
    %dma_wait3A_30 = tpu.memref_slice %arg2[%multiple_of3A] : memref<12800000xf32, #tpu.memory_space<hbm>> -> memref<16000xf32, #tpu.memory_space<hbm>>
    tpu.wait_dma2 semaphore(%arg9 : memref<!tpu.dma_semaphore, #tpu.memory_space<semaphore_mem>>) src(%dma_wait3A_30 : memref<16000xf32, #tpu.memory_space<hbm>>) dst(%arg4 : memref<16000xf32, #tpu.memory_space<vmem>>)
    %scan3A = arith.constant 0 : i32
    %scan3A_31 = arith.constant 125 : i32
    %scan3A_32 = arith.addi %scan3A, %scan3A_31 : i32
    %scan3A_33 = arith.constant 1 : i32
    %scan3A_34:8 = scf.for %scan3A_193 = %scan3A to %scan3A_32 step %scan3A_33 iter_args(%scan3A_194 = %broadcast_in_dim3A_10, %scan3A_195 = %broadcast_in_dim3A_12, %scan3A_196 = %broadcast_in_dim3A_14, %scan3A_197 = %broadcast_in_dim3A_16, %scan3A_198 = %broadcast_in_dim3A_18, %scan3A_199 = %broadcast_in_dim3A_20, %scan3A_200 = %broadcast_in_dim3A_22, %scan3A_201 = %broadcast_in_dim3A_24) -> (vector<16xf32>, vector<16xf32>, vector<16xf32>, vector<16xf32>, vector<16xf32>, vector<16xf32>, vector<16xf32>, vector<16xf32>)  : i32 {
      %mul3A_202 = arith.constant 128 : i32
      %mul3A_203 = arith.muli %scan3A_193, %mul3A_202 : i32
      %add3A_204 = arith.constant 0 : i32
      %add3A_205 = arith.addi %mul3A_203, %add3A_204 : i32
      %get3A = arith.index_cast %add3A_205 : i32 to index
      %get3A_206 = tpu.vector_load %arg4[%get3A] {strides = array<i32>} : memref<16000xf32, #tpu.memory_space<vmem>>, vector<16xf32>,
      %max3A = arith.maximumf %scan3A_194, %get3A_206 : vector<16xf32>
      %mul3A_207 = arith.constant 128 : i32
      %mul3A_208 = arith.muli %scan3A_193, %mul3A_207 : i32
      %add3A_209 = arith.constant 16 : i32
      %add3A_210 = arith.addi %mul3A_208, %add3A_209 : i32
      %get3A_211 = arith.index_cast %add3A_210 : i32 to index
      %get3A_212 = tpu.vector_load %arg4[%get3A_211] {strides = array<i32>} : memref<16000xf32, #tpu.memory_space<vmem>>, vector<16xf32>,
      %max3A_213 = arith.maximumf %scan3A_195, %get3A_212 : vector<16xf32>
      %mul3A_214 = arith.constant 128 : i32
      %mul3A_215 = arith.muli %scan3A_193, %mul3A_214 : i32
      %add3A_216 = arith.constant 32 : i32
      %add3A_217 = arith.addi %mul3A_215, %add3A_216 : i32
      %get3A_218 = arith.index_cast %add3A_217 : i32 to index
      %get3A_219 = tpu.vector_load %arg4[%get3A_218] {strides = array<i32>} : memref<16000xf32, #tpu.memory_space<vmem>>, vector<16xf32>,
      %max3A_220 = arith.maximumf %scan3A_196, %get3A_219 : vector<16xf32>
      %mul3A_221 = arith.constant 128 : i32
      %mul3A_222 = arith.muli %scan3A_193, %mul3A_221 : i32
      %add3A_223 = arith.constant 48 : i32
      %add3A_224 = arith.addi %mul3A_222, %add3A_223 : i32
      %get3A_225 = arith.index_cast %add3A_224 : i32 to index
      %get3A_226 = tpu.vector_load %arg4[%get3A_225] {strides = array<i32>} : memref<16000xf32, #tpu.memory_space<vmem>>, vector<16xf32>,
      %max3A_227 = arith.maximumf %scan3A_197, %get3A_226 : vector<16xf32>
      %mul3A_228 = arith.constant 128 : i32
      %mul3A_229 = arith.muli %scan3A_193, %mul3A_228 : i32
      %add3A_230 = arith.constant 64 : i32
      %add3A_231 = arith.addi %mul3A_229, %add3A_230 : i32
      %get3A_232 = arith.index_cast %add3A_231 : i32 to index
      %get3A_233 = tpu.vector_load %arg4[%get3A_232] {strides = array<i32>} : memref<16000xf32, #tpu.memory_space<vmem>>, vector<16xf32>,
      %max3A_234 = arith.maximumf %scan3A_198, %get3A_233 : vector<16xf32>
      %mul3A_235 = arith.constant 128 : i32
      %mul3A_236 = arith.muli %scan3A_193, %mul3A_235 : i32
      %add3A_237 = arith.constant 80 : i32
      %add3A_238 = arith.addi %mul3A_236, %add3A_237 : i32
      %get3A_239 = arith.index_cast %add3A_238 : i32 to index
      %get3A_240 = tpu.vector_load %arg4[%get3A_239] {strides = array<i32>} : memref<16000xf32, #tpu.memory_space<vmem>>, vector<16xf32>,
      %max3A_241 = arith.maximumf %scan3A_199, %get3A_240 : vector<16xf32>
      %mul3A_242 = arith.constant 128 : i32
      %mul3A_243 = arith.muli %scan3A_193, %mul3A_242 : i32
      %add3A_244 = arith.constant 96 : i32
      %add3A_245 = arith.addi %mul3A_243, %add3A_244 : i32
      %get3A_246 = arith.index_cast %add3A_245 : i32 to index
      %get3A_247 = tpu.vector_load %arg4[%get3A_246] {strides = array<i32>} : memref<16000xf32, #tpu.memory_space<vmem>>, vector<16xf32>,
      %max3A_248 = arith.maximumf %scan3A_200, %get3A_247 : vector<16xf32>
      %mul3A_249 = arith.constant 128 : i32
      %mul3A_250 = arith.muli %scan3A_193, %mul3A_249 : i32
      %add3A_251 = arith.constant 112 : i32
      %add3A_252 = arith.addi %mul3A_250, %add3A_251 : i32
      %get3A_253 = arith.index_cast %add3A_252 : i32 to index
      %get3A_254 = tpu.vector_load %arg4[%get3A_253] {strides = array<i32>} : memref<16000xf32, #tpu.memory_space<vmem>>, vector<16xf32>,
      %max3A_255 = arith.maximumf %scan3A_201, %get3A_254 : vector<16xf32>
      scf.yield %max3A, %max3A_213, %max3A_220, %max3A_227, %max3A_234, %max3A_241, %max3A_248, %max3A_255 : vector<16xf32>, vector<16xf32>, vector<16xf32>, vector<16xf32>, vector<16xf32>, vector<16xf32>, vector<16xf32>, vector<16xf32>
    }
    %scan3A_35 = arith.constant 125 : i32
    %add3A_36 = arith.constant 32000 : i32
    %add3A_37 = arith.addi %add3A_6, %add3A_36 : i32
    %multiple_of3A_38 = tpu.assume_multiple %add3A_37, 8 : i32
    %dma_start3A_39 = tpu.memref_slice %arg2[%multiple_of3A_38] : memref<12800000xf32, #tpu.memory_space<hbm>> -> memref<16000xf32, #tpu.memory_space<hbm>>
    %dma_start3A_40 = tpu.memref_slice %arg2[%multiple_of3A_38] : memref<12800000xf32, #tpu.memory_space<hbm>> -> memref<16000xf32, #tpu.memory_space<hbm>>
    tpu.enqueue_dma source(%dma_start3A_40 : memref<16000xf32, #tpu.memory_space<hbm>>) target(%arg4 : memref<16000xf32, #tpu.memory_space<vmem>>) target_semaphore(%arg9 : memref<!tpu.dma_semaphore, #tpu.memory_space<semaphore_mem>>)
    %dma_wait3A_41 = tpu.memref_slice %arg2[%multiple_of3A_27] : memref<12800000xf32, #tpu.memory_space<hbm>> -> memref<16000xf32, #tpu.memory_space<hbm>>
    %dma_wait3A_42 = tpu.memref_slice %arg2[%multiple_of3A_27] : memref<12800000xf32, #tpu.memory_space<hbm>> -> memref<16000xf32, #tpu.memory_space<hbm>>
    tpu.wait_dma2 semaphore(%arg10 : memref<!tpu.dma_semaphore, #tpu.memory_space<semaphore_mem>>) src(%dma_wait3A_42 : memref<16000xf32, #tpu.memory_space<hbm>>) dst(%arg5 : memref<16000xf32, #tpu.memory_space<vmem>>)
    %scan3A_43 = arith.constant 0 : i32
    %scan3A_44 = arith.constant 125 : i32
    %scan3A_45 = arith.addi %scan3A_43, %scan3A_44 : i32
    %scan3A_46 = arith.constant 1 : i32
    %scan3A_47:8 = scf.for %scan3A_193 = %scan3A_43 to %scan3A_45 step %scan3A_46 iter_args(%scan3A_194 = %scan3A_34#0, %scan3A_195 = %scan3A_34#1, %scan3A_196 = %scan3A_34#2, %scan3A_197 = %scan3A_34#3, %scan3A_198 = %scan3A_34#4, %scan3A_199 = %scan3A_34#5, %scan3A_200 = %scan3A_34#6, %scan3A_201 = %scan3A_34#7) -> (vector<16xf32>, vector<16xf32>, vector<16xf32>, vector<16xf32>, vector<16xf32>, vector<16xf32>, vector<16xf32>, vector<16xf32>)  : i32 {
      %mul3A_202 = arith.constant 128 : i32
      %mul3A_203 = arith.muli %scan3A_193, %mul3A_202 : i32
      %add3A_204 = arith.constant 0 : i32
      %add3A_205 = arith.addi %mul3A_203, %add3A_204 : i32
      %get3A = arith.index_cast %add3A_205 : i32 to index
      %get3A_206 = tpu.vector_load %arg5[%get3A] {strides = array<i32>} : memref<16000xf32, #tpu.memory_space<vmem>>, vector<16xf32>,
      %max3A = arith.maximumf %scan3A_194, %get3A_206 : vector<16xf32>
      %mul3A_207 = arith.constant 128 : i32
      %mul3A_208 = arith.muli %scan3A_193, %mul3A_207 : i32
      %add3A_209 = arith.constant 16 : i32
      %add3A_210 = arith.addi %mul3A_208, %add3A_209 : i32
      %get3A_211 = arith.index_cast %add3A_210 : i32 to index
      %get3A_212 = tpu.vector_load %arg5[%get3A_211] {strides = array<i32>} : memref<16000xf32, #tpu.memory_space<vmem>>, vector<16xf32>,
      %max3A_213 = arith.maximumf %scan3A_195, %get3A_212 : vector<16xf32>
      %mul3A_214 = arith.constant 128 : i32
      %mul3A_215 = arith.muli %scan3A_193, %mul3A_214 : i32
      %add3A_216 = arith.constant 32 : i32
      %add3A_217 = arith.addi %mul3A_215, %add3A_216 : i32
      %get3A_218 = arith.index_cast %add3A_217 : i32 to index
      %get3A_219 = tpu.vector_load %arg5[%get3A_218] {strides = array<i32>} : memref<16000xf32, #tpu.memory_space<vmem>>, vector<16xf32>,
      %max3A_220 = arith.maximumf %scan3A_196, %get3A_219 : vector<16xf32>
      %mul3A_221 = arith.constant 128 : i32
      %mul3A_222 = arith.muli %scan3A_193, %mul3A_221 : i32
      %add3A_223 = arith.constant 48 : i32
      %add3A_224 = arith.addi %mul3A_222, %add3A_223 : i32
      %get3A_225 = arith.index_cast %add3A_224 : i32 to index
      %get3A_226 = tpu.vector_load %arg5[%get3A_225] {strides = array<i32>} : memref<16000xf32, #tpu.memory_space<vmem>>, vector<16xf32>,
      %max3A_227 = arith.maximumf %scan3A_197, %get3A_226 : vector<16xf32>
      %mul3A_228 = arith.constant 128 : i32
      %mul3A_229 = arith.muli %scan3A_193, %mul3A_228 : i32
      %add3A_230 = arith.constant 64 : i32
      %add3A_231 = arith.addi %mul3A_229, %add3A_230 : i32
      %get3A_232 = arith.index_cast %add3A_231 : i32 to index
      %get3A_233 = tpu.vector_load %arg5[%get3A_232] {strides = array<i32>} : memref<16000xf32, #tpu.memory_space<vmem>>, vector<16xf32>,
      %max3A_234 = arith.maximumf %scan3A_198, %get3A_233 : vector<16xf32>
      %mul3A_235 = arith.constant 128 : i32
      %mul3A_236 = arith.muli %scan3A_193, %mul3A_235 : i32
      %add3A_237 = arith.constant 80 : i32
      %add3A_238 = arith.addi %mul3A_236, %add3A_237 : i32
      %get3A_239 = arith.index_cast %add3A_238 : i32 to index
      %get3A_240 = tpu.vector_load %arg5[%get3A_239] {strides = array<i32>} : memref<16000xf32, #tpu.memory_space<vmem>>, vector<16xf32>,
      %max3A_241 = arith.maximumf %scan3A_199, %get3A_240 : vector<16xf32>
      %mul3A_242 = arith.constant 128 : i32
      %mul3A_243 = arith.muli %scan3A_193, %mul3A_242 : i32
      %add3A_244 = arith.constant 96 : i32
      %add3A_245 = arith.addi %mul3A_243, %add3A_244 : i32
      %get3A_246 = arith.index_cast %add3A_245 : i32 to index
      %get3A_247 = tpu.vector_load %arg5[%get3A_246] {strides = array<i32>} : memref<16000xf32, #tpu.memory_space<vmem>>, vector<16xf32>,
      %max3A_248 = arith.maximumf %scan3A_200, %get3A_247 : vector<16xf32>
      %mul3A_249 = arith.constant 128 : i32
      %mul3A_250 = arith.muli %scan3A_193, %mul3A_249 : i32
      %add3A_251 = arith.constant 112 : i32
      %add3A_252 = arith.addi %mul3A_250, %add3A_251 : i32
      %get3A_253 = arith.index_cast %add3A_252 : i32 to index
      %get3A_254 = tpu.vector_load %arg5[%get3A_253] {strides = array<i32>} : memref<16000xf32, #tpu.memory_space<vmem>>, vector<16xf32>,
      %max3A_255 = arith.maximumf %scan3A_201, %get3A_254 : vector<16xf32>
      scf.yield %max3A, %max3A_213, %max3A_220, %max3A_227, %max3A_234, %max3A_241, %max3A_248, %max3A_255 : vector<16xf32>, vector<16xf32>, vector<16xf32>, vector<16xf32>, vector<16xf32>, vector<16xf32>, vector<16xf32>, vector<16xf32>
    }
    %scan3A_48 = arith.constant 125 : i32
    %add3A_49 = arith.constant 48000 : i32
    %add3A_50 = arith.addi %add3A_6, %add3A_49 : i32
    %multiple_of3A_51 = tpu.assume_multiple %add3A_50, 8 : i32
    %dma_start3A_52 = tpu.memref_slice %arg2[%multiple_of3A_51] : memref<12800000xf32, #tpu.memory_space<hbm>> -> memref<16000xf32, #tpu.memory_space<hbm>>
    %dma_start3A_53 = tpu.memref_slice %arg2[%multiple_of3A_51] : memref<12800000xf32, #tpu.memory_space<hbm>> -> memref<16000xf32, #tpu.memory_space<hbm>>
    tpu.enqueue_dma source(%dma_start3A_53 : memref<16000xf32, #tpu.memory_space<hbm>>) target(%arg5 : memref<16000xf32, #tpu.memory_space<vmem>>) target_semaphore(%arg10 : memref<!tpu.dma_semaphore, #tpu.memory_space<semaphore_mem>>)
    %dma_wait3A_54 = tpu.memref_slice %arg2[%multiple_of3A_38] : memref<12800000xf32, #tpu.memory_space<hbm>> -> memref<16000xf32, #tpu.memory_space<hbm>>
    %dma_wait3A_55 = tpu.memref_slice %arg2[%multiple_of3A_38] : memref<12800000xf32, #tpu.memory_space<hbm>> -> memref<16000xf32, #tpu.memory_space<hbm>>
    tpu.wait_dma2 semaphore(%arg9 : memref<!tpu.dma_semaphore, #tpu.memory_space<semaphore_mem>>) src(%dma_wait3A_55 : memref<16000xf32, #tpu.memory_space<hbm>>) dst(%arg4 : memref<16000xf32, #tpu.memory_space<vmem>>)
    %scan3A_56 = arith.constant 0 : i32
    %scan3A_57 = arith.constant 125 : i32
    %scan3A_58 = arith.addi %scan3A_56, %scan3A_57 : i32
    %scan3A_59 = arith.constant 1 : i32
    %scan3A_60:8 = scf.for %scan3A_193 = %scan3A_56 to %scan3A_58 step %scan3A_59 iter_args(%scan3A_194 = %scan3A_47#0, %scan3A_195 = %scan3A_47#1, %scan3A_196 = %scan3A_47#2, %scan3A_197 = %scan3A_47#3, %scan3A_198 = %scan3A_47#4, %scan3A_199 = %scan3A_47#5, %scan3A_200 = %scan3A_47#6, %scan3A_201 = %scan3A_47#7) -> (vector<16xf32>, vector<16xf32>, vector<16xf32>, vector<16xf32>, vector<16xf32>, vector<16xf32>, vector<16xf32>, vector<16xf32>)  : i32 {
      %mul3A_202 = arith.constant 128 : i32
      %mul3A_203 = arith.muli %scan3A_193, %mul3A_202 : i32
      %add3A_204 = arith.constant 0 : i32
      %add3A_205 = arith.addi %mul3A_203, %add3A_204 : i32
      %get3A = arith.index_cast %add3A_205 : i32 to index
      %get3A_206 = tpu.vector_load %arg4[%get3A] {strides = array<i32>} : memref<16000xf32, #tpu.memory_space<vmem>>, vector<16xf32>,
      %max3A = arith.maximumf %scan3A_194, %get3A_206 : vector<16xf32>
      %mul3A_207 = arith.constant 128 : i32
      %mul3A_208 = arith.muli %scan3A_193, %mul3A_207 : i32
      %add3A_209 = arith.constant 16 : i32
      %add3A_210 = arith.addi %mul3A_208, %add3A_209 : i32
      %get3A_211 = arith.index_cast %add3A_210 : i32 to index
      %get3A_212 = tpu.vector_load %arg4[%get3A_211] {strides = array<i32>} : memref<16000xf32, #tpu.memory_space<vmem>>, vector<16xf32>,
      %max3A_213 = arith.maximumf %scan3A_195, %get3A_212 : vector<16xf32>
      %mul3A_214 = arith.constant 128 : i32
      %mul3A_215 = arith.muli %scan3A_193, %mul3A_214 : i32
      %add3A_216 = arith.constant 32 : i32
      %add3A_217 = arith.addi %mul3A_215, %add3A_216 : i32
      %get3A_218 = arith.index_cast %add3A_217 : i32 to index
      %get3A_219 = tpu.vector_load %arg4[%get3A_218] {strides = array<i32>} : memref<16000xf32, #tpu.memory_space<vmem>>, vector<16xf32>,
      %max3A_220 = arith.maximumf %scan3A_196, %get3A_219 : vector<16xf32>
      %mul3A_221 = arith.constant 128 : i32
      %mul3A_222 = arith.muli %scan3A_193, %mul3A_221 : i32
      %add3A_223 = arith.constant 48 : i32
      %add3A_224 = arith.addi %mul3A_222, %add3A_223 : i32
      %get3A_225 = arith.index_cast %add3A_224 : i32 to index
      %get3A_226 = tpu.vector_load %arg4[%get3A_225] {strides = array<i32>} : memref<16000xf32, #tpu.memory_space<vmem>>, vector<16xf32>,
      %max3A_227 = arith.maximumf %scan3A_197, %get3A_226 : vector<16xf32>
      %mul3A_228 = arith.constant 128 : i32
      %mul3A_229 = arith.muli %scan3A_193, %mul3A_228 : i32
      %add3A_230 = arith.constant 64 : i32
      %add3A_231 = arith.addi %mul3A_229, %add3A_230 : i32
      %get3A_232 = arith.index_cast %add3A_231 : i32 to index
      %get3A_233 = tpu.vector_load %arg4[%get3A_232] {strides = array<i32>} : memref<16000xf32, #tpu.memory_space<vmem>>, vector<16xf32>,
      %max3A_234 = arith.maximumf %scan3A_198, %get3A_233 : vector<16xf32>
      %mul3A_235 = arith.constant 128 : i32
      %mul3A_236 = arith.muli %scan3A_193, %mul3A_235 : i32
      %add3A_237 = arith.constant 80 : i32
      %add3A_238 = arith.addi %mul3A_236, %add3A_237 : i32
      %get3A_239 = arith.index_cast %add3A_238 : i32 to index
      %get3A_240 = tpu.vector_load %arg4[%get3A_239] {strides = array<i32>} : memref<16000xf32, #tpu.memory_space<vmem>>, vector<16xf32>,
      %max3A_241 = arith.maximumf %scan3A_199, %get3A_240 : vector<16xf32>
      %mul3A_242 = arith.constant 128 : i32
      %mul3A_243 = arith.muli %scan3A_193, %mul3A_242 : i32
      %add3A_244 = arith.constant 96 : i32
      %add3A_245 = arith.addi %mul3A_243, %add3A_244 : i32
      %get3A_246 = arith.index_cast %add3A_245 : i32 to index
      %get3A_247 = tpu.vector_load %arg4[%get3A_246] {strides = array<i32>} : memref<16000xf32, #tpu.memory_space<vmem>>, vector<16xf32>,
      %max3A_248 = arith.maximumf %scan3A_200, %get3A_247 : vector<16xf32>
      %mul3A_249 = arith.constant 128 : i32
      %mul3A_250 = arith.muli %scan3A_193, %mul3A_249 : i32
      %add3A_251 = arith.constant 112 : i32
      %add3A_252 = arith.addi %mul3A_250, %add3A_251 : i32
      %get3A_253 = arith.index_cast %add3A_252 : i32 to index
      %get3A_254 = tpu.vector_load %arg4[%get3A_253] {strides = array<i32>} : memref<16000xf32, #tpu.memory_space<vmem>>, vector<16xf32>,
      %max3A_255 = arith.maximumf %scan3A_201, %get3A_254 : vector<16xf32>
      scf.yield %max3A, %max3A_213, %max3A_220, %max3A_227, %max3A_234, %max3A_241, %max3A_248, %max3A_255 : vector<16xf32>, vector<16xf32>, vector<16xf32>, vector<16xf32>, vector<16xf32>, vector<16xf32>, vector<16xf32>, vector<16xf32>
    }
    %scan3A_61 = arith.constant 125 : i32
    %add3A_62 = arith.constant 64000 : i32
    %add3A_63 = arith.addi %add3A_6, %add3A_62 : i32
    %multiple_of3A_64 = tpu.assume_multiple %add3A_63, 8 : i32
    %dma_start3A_65 = tpu.memref_slice %arg2[%multiple_of3A_64] : memref<12800000xf32, #tpu.memory_space<hbm>> -> memref<16000xf32, #tpu.memory_space<hbm>>
    %dma_start3A_66 = tpu.memref_slice %arg2[%multiple_of3A_64] : memref<12800000xf32, #tpu.memory_space<hbm>> -> memref<16000xf32, #tpu.memory_space<hbm>>
    tpu.enqueue_dma source(%dma_start3A_66 : memref<16000xf32, #tpu.memory_space<hbm>>) target(%arg4 : memref<16000xf32, #tpu.memory_space<vmem>>) target_semaphore(%arg9 : memref<!tpu.dma_semaphore, #tpu.memory_space<semaphore_mem>>)
    %dma_wait3A_67 = tpu.memref_slice %arg2[%multiple_of3A_51] : memref<12800000xf32, #tpu.memory_space<hbm>> -> memref<16000xf32, #tpu.memory_space<hbm>>
    %dma_wait3A_68 = tpu.memref_slice %arg2[%multiple_of3A_51] : memref<12800000xf32, #tpu.memory_space<hbm>> -> memref<16000xf32, #tpu.memory_space<hbm>>
    tpu.wait_dma2 semaphore(%arg10 : memref<!tpu.dma_semaphore, #tpu.memory_space<semaphore_mem>>) src(%dma_wait3A_68 : memref<16000xf32, #tpu.memory_space<hbm>>) dst(%arg5 : memref<16000xf32, #tpu.memory_space<vmem>>)
    %scan3A_69 = arith.constant 0 : i32
    %scan3A_70 = arith.constant 125 : i32
    %scan3A_71 = arith.addi %scan3A_69, %scan3A_70 : i32
    %scan3A_72 = arith.constant 1 : i32
    %scan3A_73:8 = scf.for %scan3A_193 = %scan3A_69 to %scan3A_71 step %scan3A_72 iter_args(%scan3A_194 = %scan3A_60#0, %scan3A_195 = %scan3A_60#1, %scan3A_196 = %scan3A_60#2, %scan3A_197 = %scan3A_60#3, %scan3A_198 = %scan3A_60#4, %scan3A_199 = %scan3A_60#5, %scan3A_200 = %scan3A_60#6, %scan3A_201 = %scan3A_60#7) -> (vector<16xf32>, vector<16xf32>, vector<16xf32>, vector<16xf32>, vector<16xf32>, vector<16xf32>, vector<16xf32>, vector<16xf32>)  : i32 {
      %mul3A_202 = arith.constant 128 : i32
      %mul3A_203 = arith.muli %scan3A_193, %mul3A_202 : i32
      %add3A_204 = arith.constant 0 : i32
      %add3A_205 = arith.addi %mul3A_203, %add3A_204 : i32
      %get3A = arith.index_cast %add3A_205 : i32 to index
      %get3A_206 = tpu.vector_load %arg5[%get3A] {strides = array<i32>} : memref<16000xf32, #tpu.memory_space<vmem>>, vector<16xf32>,
      %max3A = arith.maximumf %scan3A_194, %get3A_206 : vector<16xf32>
      %mul3A_207 = arith.constant 128 : i32
      %mul3A_208 = arith.muli %scan3A_193, %mul3A_207 : i32
      %add3A_209 = arith.constant 16 : i32
      %add3A_210 = arith.addi %mul3A_208, %add3A_209 : i32
      %get3A_211 = arith.index_cast %add3A_210 : i32 to index
      %get3A_212 = tpu.vector_load %arg5[%get3A_211] {strides = array<i32>} : memref<16000xf32, #tpu.memory_space<vmem>>, vector<16xf32>,
      %max3A_213 = arith.maximumf %scan3A_195, %get3A_212 : vector<16xf32>
      %mul3A_214 = arith.constant 128 : i32
      %mul3A_215 = arith.muli %scan3A_193, %mul3A_214 : i32
      %add3A_216 = arith.constant 32 : i32
      %add3A_217 = arith.addi %mul3A_215, %add3A_216 : i32
      %get3A_218 = arith.index_cast %add3A_217 : i32 to index
      %get3A_219 = tpu.vector_load %arg5[%get3A_218] {strides = array<i32>} : memref<16000xf32, #tpu.memory_space<vmem>>, vector<16xf32>,
      %max3A_220 = arith.maximumf %scan3A_196, %get3A_219 : vector<16xf32>
      %mul3A_221 = arith.constant 128 : i32
      %mul3A_222 = arith.muli %scan3A_193, %mul3A_221 : i32
      %add3A_223 = arith.constant 48 : i32
      %add3A_224 = arith.addi %mul3A_222, %add3A_223 : i32
      %get3A_225 = arith.index_cast %add3A_224 : i32 to index
      %get3A_226 = tpu.vector_load %arg5[%get3A_225] {strides = array<i32>} : memref<16000xf32, #tpu.memory_space<vmem>>, vector<16xf32>,
      %max3A_227 = arith.maximumf %scan3A_197, %get3A_226 : vector<16xf32>
      %mul3A_228 = arith.constant 128 : i32
      %mul3A_229 = arith.muli %scan3A_193, %mul3A_228 : i32
      %add3A_230 = arith.constant 64 : i32
      %add3A_231 = arith.addi %mul3A_229, %add3A_230 : i32
      %get3A_232 = arith.index_cast %add3A_231 : i32 to index
      %get3A_233 = tpu.vector_load %arg5[%get3A_232] {strides = array<i32>} : memref<16000xf32, #tpu.memory_space<vmem>>, vector<16xf32>,
      %max3A_234 = arith.maximumf %scan3A_198, %get3A_233 : vector<16xf32>
      %mul3A_235 = arith.constant 128 : i32
      %mul3A_236 = arith.muli %scan3A_193, %mul3A_235 : i32
      %add3A_237 = arith.constant 80 : i32
      %add3A_238 = arith.addi %mul3A_236, %add3A_237 : i32
      %get3A_239 = arith.index_cast %add3A_238 : i32 to index
      %get3A_240 = tpu.vector_load %arg5[%get3A_239] {strides = array<i32>} : memref<16000xf32, #tpu.memory_space<vmem>>, vector<16xf32>,
      %max3A_241 = arith.maximumf %scan3A_199, %get3A_240 : vector<16xf32>
      %mul3A_242 = arith.constant 128 : i32
      %mul3A_243 = arith.muli %scan3A_193, %mul3A_242 : i32
      %add3A_244 = arith.constant 96 : i32
      %add3A_245 = arith.addi %mul3A_243, %add3A_244 : i32
      %get3A_246 = arith.index_cast %add3A_245 : i32 to index
      %get3A_247 = tpu.vector_load %arg5[%get3A_246] {strides = array<i32>} : memref<16000xf32, #tpu.memory_space<vmem>>, vector<16xf32>,
      %max3A_248 = arith.maximumf %scan3A_200, %get3A_247 : vector<16xf32>
      %mul3A_249 = arith.constant 128 : i32
      %mul3A_250 = arith.muli %scan3A_193, %mul3A_249 : i32
      %add3A_251 = arith.constant 112 : i32
      %add3A_252 = arith.addi %mul3A_250, %add3A_251 : i32
      %get3A_253 = arith.index_cast %add3A_252 : i32 to index
      %get3A_254 = tpu.vector_load %arg5[%get3A_253] {strides = array<i32>} : memref<16000xf32, #tpu.memory_space<vmem>>, vector<16xf32>,
      %max3A_255 = arith.maximumf %scan3A_201, %get3A_254 : vector<16xf32>
      scf.yield %max3A, %max3A_213, %max3A_220, %max3A_227, %max3A_234, %max3A_241, %max3A_248, %max3A_255 : vector<16xf32>, vector<16xf32>, vector<16xf32>, vector<16xf32>, vector<16xf32>, vector<16xf32>, vector<16xf32>, vector<16xf32>
    }
    %scan3A_74 = arith.constant 125 : i32
    %add3A_75 = arith.constant 80000 : i32
    %add3A_76 = arith.addi %add3A_6, %add3A_75 : i32
    %multiple_of3A_77 = tpu.assume_multiple %add3A_76, 8 : i32
    %dma_start3A_78 = tpu.memref_slice %arg2[%multiple_of3A_77] : memref<12800000xf32, #tpu.memory_space<hbm>> -> memref<16000xf32, #tpu.memory_space<hbm>>
    %dma_start3A_79 = tpu.memref_slice %arg2[%multiple_of3A_77] : memref<12800000xf32, #tpu.memory_space<hbm>> -> memref<16000xf32, #tpu.memory_space<hbm>>
    tpu.enqueue_dma source(%dma_start3A_79 : memref<16000xf32, #tpu.memory_space<hbm>>) target(%arg5 : memref<16000xf32, #tpu.memory_space<vmem>>) target_semaphore(%arg10 : memref<!tpu.dma_semaphore, #tpu.memory_space<semaphore_mem>>)
    %dma_wait3A_80 = tpu.memref_slice %arg2[%multiple_of3A_64] : memref<12800000xf32, #tpu.memory_space<hbm>> -> memref<16000xf32, #tpu.memory_space<hbm>>
    %dma_wait3A_81 = tpu.memref_slice %arg2[%multiple_of3A_64] : memref<12800000xf32, #tpu.memory_space<hbm>> -> memref<16000xf32, #tpu.memory_space<hbm>>
    tpu.wait_dma2 semaphore(%arg9 : memref<!tpu.dma_semaphore, #tpu.memory_space<semaphore_mem>>) src(%dma_wait3A_81 : memref<16000xf32, #tpu.memory_space<hbm>>) dst(%arg4 : memref<16000xf32, #tpu.memory_space<vmem>>)
    %scan3A_82 = arith.constant 0 : i32
    %scan3A_83 = arith.constant 125 : i32
    %scan3A_84 = arith.addi %scan3A_82, %scan3A_83 : i32
    %scan3A_85 = arith.constant 1 : i32
    %scan3A_86:8 = scf.for %scan3A_193 = %scan3A_82 to %scan3A_84 step %scan3A_85 iter_args(%scan3A_194 = %scan3A_73#0, %scan3A_195 = %scan3A_73#1, %scan3A_196 = %scan3A_73#2, %scan3A_197 = %scan3A_73#3, %scan3A_198 = %scan3A_73#4, %scan3A_199 = %scan3A_73#5, %scan3A_200 = %scan3A_73#6, %scan3A_201 = %scan3A_73#7) -> (vector<16xf32>, vector<16xf32>, vector<16xf32>, vector<16xf32>, vector<16xf32>, vector<16xf32>, vector<16xf32>, vector<16xf32>)  : i32 {
      %mul3A_202 = arith.constant 128 : i32
      %mul3A_203 = arith.muli %scan3A_193, %mul3A_202 : i32
      %add3A_204 = arith.constant 0 : i32
      %add3A_205 = arith.addi %mul3A_203, %add3A_204 : i32
      %get3A = arith.index_cast %add3A_205 : i32 to index
      %get3A_206 = tpu.vector_load %arg4[%get3A] {strides = array<i32>} : memref<16000xf32, #tpu.memory_space<vmem>>, vector<16xf32>,
      %max3A = arith.maximumf %scan3A_194, %get3A_206 : vector<16xf32>
      %mul3A_207 = arith.constant 128 : i32
      %mul3A_208 = arith.muli %scan3A_193, %mul3A_207 : i32
      %add3A_209 = arith.constant 16 : i32
      %add3A_210 = arith.addi %mul3A_208, %add3A_209 : i32
      %get3A_211 = arith.index_cast %add3A_210 : i32 to index
      %get3A_212 = tpu.vector_load %arg4[%get3A_211] {strides = array<i32>} : memref<16000xf32, #tpu.memory_space<vmem>>, vector<16xf32>,
      %max3A_213 = arith.maximumf %scan3A_195, %get3A_212 : vector<16xf32>
      %mul3A_214 = arith.constant 128 : i32
      %mul3A_215 = arith.muli %scan3A_193, %mul3A_214 : i32
      %add3A_216 = arith.constant 32 : i32
      %add3A_217 = arith.addi %mul3A_215, %add3A_216 : i32
      %get3A_218 = arith.index_cast %add3A_217 : i32 to index
      %get3A_219 = tpu.vector_load %arg4[%get3A_218] {strides = array<i32>} : memref<16000xf32, #tpu.memory_space<vmem>>, vector<16xf32>,
      %max3A_220 = arith.maximumf %scan3A_196, %get3A_219 : vector<16xf32>
      %mul3A_221 = arith.constant 128 : i32
      %mul3A_222 = arith.muli %scan3A_193, %mul3A_221 : i32
      %add3A_223 = arith.constant 48 : i32
      %add3A_224 = arith.addi %mul3A_222, %add3A_223 : i32
      %get3A_225 = arith.index_cast %add3A_224 : i32 to index
      %get3A_226 = tpu.vector_load %arg4[%get3A_225] {strides = array<i32>} : memref<16000xf32, #tpu.memory_space<vmem>>, vector<16xf32>,
      %max3A_227 = arith.maximumf %scan3A_197, %get3A_226 : vector<16xf32>
      %mul3A_228 = arith.constant 128 : i32
      %mul3A_229 = arith.muli %scan3A_193, %mul3A_228 : i32
      %add3A_230 = arith.constant 64 : i32
      %add3A_231 = arith.addi %mul3A_229, %add3A_230 : i32
      %get3A_232 = arith.index_cast %add3A_231 : i32 to index
      %get3A_233 = tpu.vector_load %arg4[%get3A_232] {strides = array<i32>} : memref<16000xf32, #tpu.memory_space<vmem>>, vector<16xf32>,
      %max3A_234 = arith.maximumf %scan3A_198, %get3A_233 : vector<16xf32>
      %mul3A_235 = arith.constant 128 : i32
      %mul3A_236 = arith.muli %scan3A_193, %mul3A_235 : i32
      %add3A_237 = arith.constant 80 : i32
      %add3A_238 = arith.addi %mul3A_236, %add3A_237 : i32
      %get3A_239 = arith.index_cast %add3A_238 : i32 to index
      %get3A_240 = tpu.vector_load %arg4[%get3A_239] {strides = array<i32>} : memref<16000xf32, #tpu.memory_space<vmem>>, vector<16xf32>,
      %max3A_241 = arith.maximumf %scan3A_199, %get3A_240 : vector<16xf32>
      %mul3A_242 = arith.constant 128 : i32
      %mul3A_243 = arith.muli %scan3A_193, %mul3A_242 : i32
      %add3A_244 = arith.constant 96 : i32
      %add3A_245 = arith.addi %mul3A_243, %add3A_244 : i32
      %get3A_246 = arith.index_cast %add3A_245 : i32 to index
      %get3A_247 = tpu.vector_load %arg4[%get3A_246] {strides = array<i32>} : memref<16000xf32, #tpu.memory_space<vmem>>, vector<16xf32>,
      %max3A_248 = arith.maximumf %scan3A_200, %get3A_247 : vector<16xf32>
      %mul3A_249 = arith.constant 128 : i32
      %mul3A_250 = arith.muli %scan3A_193, %mul3A_249 : i32
      %add3A_251 = arith.constant 112 : i32
      %add3A_252 = arith.addi %mul3A_250, %add3A_251 : i32
      %get3A_253 = arith.index_cast %add3A_252 : i32 to index
      %get3A_254 = tpu.vector_load %arg4[%get3A_253] {strides = array<i32>} : memref<16000xf32, #tpu.memory_space<vmem>>, vector<16xf32>,
      %max3A_255 = arith.maximumf %scan3A_201, %get3A_254 : vector<16xf32>
      scf.yield %max3A, %max3A_213, %max3A_220, %max3A_227, %max3A_234, %max3A_241, %max3A_248, %max3A_255 : vector<16xf32>, vector<16xf32>, vector<16xf32>, vector<16xf32>, vector<16xf32>, vector<16xf32>, vector<16xf32>, vector<16xf32>
    }
    %scan3A_87 = arith.constant 125 : i32
    %add3A_88 = arith.constant 96000 : i32
    %add3A_89 = arith.addi %add3A_6, %add3A_88 : i32
    %multiple_of3A_90 = tpu.assume_multiple %add3A_89, 8 : i32
    %dma_start3A_91 = tpu.memref_slice %arg2[%multiple_of3A_90] : memref<12800000xf32, #tpu.memory_space<hbm>> -> memref<16000xf32, #tpu.memory_space<hbm>>
    %dma_start3A_92 = tpu.memref_slice %arg2[%multiple_of3A_90] : memref<12800000xf32, #tpu.memory_space<hbm>> -> memref<16000xf32, #tpu.memory_space<hbm>>
    tpu.enqueue_dma source(%dma_start3A_92 : memref<16000xf32, #tpu.memory_space<hbm>>) target(%arg4 : memref<16000xf32, #tpu.memory_space<vmem>>) target_semaphore(%arg9 : memref<!tpu.dma_semaphore, #tpu.memory_space<semaphore_mem>>)
    %dma_wait3A_93 = tpu.memref_slice %arg2[%multiple_of3A_77] : memref<12800000xf32, #tpu.memory_space<hbm>> -> memref<16000xf32, #tpu.memory_space<hbm>>
    %dma_wait3A_94 = tpu.memref_slice %arg2[%multiple_of3A_77] : memref<12800000xf32, #tpu.memory_space<hbm>> -> memref<16000xf32, #tpu.memory_space<hbm>>
    tpu.wait_dma2 semaphore(%arg10 : memref<!tpu.dma_semaphore, #tpu.memory_space<semaphore_mem>>) src(%dma_wait3A_94 : memref<16000xf32, #tpu.memory_space<hbm>>) dst(%arg5 : memref<16000xf32, #tpu.memory_space<vmem>>)
    %scan3A_95 = arith.constant 0 : i32
    %scan3A_96 = arith.constant 125 : i32
    %scan3A_97 = arith.addi %scan3A_95, %scan3A_96 : i32
    %scan3A_98 = arith.constant 1 : i32
    %scan3A_99:8 = scf.for %scan3A_193 = %scan3A_95 to %scan3A_97 step %scan3A_98 iter_args(%scan3A_194 = %scan3A_86#0, %scan3A_195 = %scan3A_86#1, %scan3A_196 = %scan3A_86#2, %scan3A_197 = %scan3A_86#3, %scan3A_198 = %scan3A_86#4, %scan3A_199 = %scan3A_86#5, %scan3A_200 = %scan3A_86#6, %scan3A_201 = %scan3A_86#7) -> (vector<16xf32>, vector<16xf32>, vector<16xf32>, vector<16xf32>, vector<16xf32>, vector<16xf32>, vector<16xf32>, vector<16xf32>)  : i32 {
      %mul3A_202 = arith.constant 128 : i32
      %mul3A_203 = arith.muli %scan3A_193, %mul3A_202 : i32
      %add3A_204 = arith.constant 0 : i32
      %add3A_205 = arith.addi %mul3A_203, %add3A_204 : i32
      %get3A = arith.index_cast %add3A_205 : i32 to index
      %get3A_206 = tpu.vector_load %arg5[%get3A] {strides = array<i32>} : memref<16000xf32, #tpu.memory_space<vmem>>, vector<16xf32>,
      %max3A = arith.maximumf %scan3A_194, %get3A_206 : vector<16xf32>
      %mul3A_207 = arith.constant 128 : i32
      %mul3A_208 = arith.muli %scan3A_193, %mul3A_207 : i32
      %add3A_209 = arith.constant 16 : i32
      %add3A_210 = arith.addi %mul3A_208, %add3A_209 : i32
      %get3A_211 = arith.index_cast %add3A_210 : i32 to index
      %get3A_212 = tpu.vector_load %arg5[%get3A_211] {strides = array<i32>} : memref<16000xf32, #tpu.memory_space<vmem>>, vector<16xf32>,
      %max3A_213 = arith.maximumf %scan3A_195, %get3A_212 : vector<16xf32>
      %mul3A_214 = arith.constant 128 : i32
      %mul3A_215 = arith.muli %scan3A_193, %mul3A_214 : i32
      %add3A_216 = arith.constant 32 : i32
      %add3A_217 = arith.addi %mul3A_215, %add3A_216 : i32
      %get3A_218 = arith.index_cast %add3A_217 : i32 to index
      %get3A_219 = tpu.vector_load %arg5[%get3A_218] {strides = array<i32>} : memref<16000xf32, #tpu.memory_space<vmem>>, vector<16xf32>,
      %max3A_220 = arith.maximumf %scan3A_196, %get3A_219 : vector<16xf32>
      %mul3A_221 = arith.constant 128 : i32
      %mul3A_222 = arith.muli %scan3A_193, %mul3A_221 : i32
      %add3A_223 = arith.constant 48 : i32
      %add3A_224 = arith.addi %mul3A_222, %add3A_223 : i32
      %get3A_225 = arith.index_cast %add3A_224 : i32 to index
      %get3A_226 = tpu.vector_load %arg5[%get3A_225] {strides = array<i32>} : memref<16000xf32, #tpu.memory_space<vmem>>, vector<16xf32>,
      %max3A_227 = arith.maximumf %scan3A_197, %get3A_226 : vector<16xf32>
      %mul3A_228 = arith.constant 128 : i32
      %mul3A_229 = arith.muli %scan3A_193, %mul3A_228 : i32
      %add3A_230 = arith.constant 64 : i32
      %add3A_231 = arith.addi %mul3A_229, %add3A_230 : i32
      %get3A_232 = arith.index_cast %add3A_231 : i32 to index
      %get3A_233 = tpu.vector_load %arg5[%get3A_232] {strides = array<i32>} : memref<16000xf32, #tpu.memory_space<vmem>>, vector<16xf32>,
      %max3A_234 = arith.maximumf %scan3A_198, %get3A_233 : vector<16xf32>
      %mul3A_235 = arith.constant 128 : i32
      %mul3A_236 = arith.muli %scan3A_193, %mul3A_235 : i32
      %add3A_237 = arith.constant 80 : i32
      %add3A_238 = arith.addi %mul3A_236, %add3A_237 : i32
      %get3A_239 = arith.index_cast %add3A_238 : i32 to index
      %get3A_240 = tpu.vector_load %arg5[%get3A_239] {strides = array<i32>} : memref<16000xf32, #tpu.memory_space<vmem>>, vector<16xf32>,
      %max3A_241 = arith.maximumf %scan3A_199, %get3A_240 : vector<16xf32>
      %mul3A_242 = arith.constant 128 : i32
      %mul3A_243 = arith.muli %scan3A_193, %mul3A_242 : i32
      %add3A_244 = arith.constant 96 : i32
      %add3A_245 = arith.addi %mul3A_243, %add3A_244 : i32
      %get3A_246 = arith.index_cast %add3A_245 : i32 to index
      %get3A_247 = tpu.vector_load %arg5[%get3A_246] {strides = array<i32>} : memref<16000xf32, #tpu.memory_space<vmem>>, vector<16xf32>,
      %max3A_248 = arith.maximumf %scan3A_200, %get3A_247 : vector<16xf32>
      %mul3A_249 = arith.constant 128 : i32
      %mul3A_250 = arith.muli %scan3A_193, %mul3A_249 : i32
      %add3A_251 = arith.constant 112 : i32
      %add3A_252 = arith.addi %mul3A_250, %add3A_251 : i32
      %get3A_253 = arith.index_cast %add3A_252 : i32 to index
      %get3A_254 = tpu.vector_load %arg5[%get3A_253] {strides = array<i32>} : memref<16000xf32, #tpu.memory_space<vmem>>, vector<16xf32>,
      %max3A_255 = arith.maximumf %scan3A_201, %get3A_254 : vector<16xf32>
      scf.yield %max3A, %max3A_213, %max3A_220, %max3A_227, %max3A_234, %max3A_241, %max3A_248, %max3A_255 : vector<16xf32>, vector<16xf32>, vector<16xf32>, vector<16xf32>, vector<16xf32>, vector<16xf32>, vector<16xf32>, vector<16xf32>
    }
    %scan3A_100 = arith.constant 125 : i32
    %add3A_101 = arith.constant 112000 : i32
    %add3A_102 = arith.addi %add3A_6, %add3A_101 : i32
    %multiple_of3A_103 = tpu.assume_multiple %add3A_102, 8 : i32
    %dma_start3A_104 = tpu.memref_slice %arg2[%multiple_of3A_103] : memref<12800000xf32, #tpu.memory_space<hbm>> -> memref<16000xf32, #tpu.memory_space<hbm>>
    %dma_start3A_105 = tpu.memref_slice %arg2[%multiple_of3A_103] : memref<12800000xf32, #tpu.memory_space<hbm>> -> memref<16000xf32, #tpu.memory_space<hbm>>
    tpu.enqueue_dma source(%dma_start3A_105 : memref<16000xf32, #tpu.memory_space<hbm>>) target(%arg5 : memref<16000xf32, #tpu.memory_space<vmem>>) target_semaphore(%arg10 : memref<!tpu.dma_semaphore, #tpu.memory_space<semaphore_mem>>)
    %dma_wait3A_106 = tpu.memref_slice %arg2[%multiple_of3A_90] : memref<12800000xf32, #tpu.memory_space<hbm>> -> memref<16000xf32, #tpu.memory_space<hbm>>
    %dma_wait3A_107 = tpu.memref_slice %arg2[%multiple_of3A_90] : memref<12800000xf32, #tpu.memory_space<hbm>> -> memref<16000xf32, #tpu.memory_space<hbm>>
    tpu.wait_dma2 semaphore(%arg9 : memref<!tpu.dma_semaphore, #tpu.memory_space<semaphore_mem>>) src(%dma_wait3A_107 : memref<16000xf32, #tpu.memory_space<hbm>>) dst(%arg4 : memref<16000xf32, #tpu.memory_space<vmem>>)
    %scan3A_108 = arith.constant 0 : i32
    %scan3A_109 = arith.constant 125 : i32
    %scan3A_110 = arith.addi %scan3A_108, %scan3A_109 : i32
    %scan3A_111 = arith.constant 1 : i32
    %scan3A_112:8 = scf.for %scan3A_193 = %scan3A_108 to %scan3A_110 step %scan3A_111 iter_args(%scan3A_194 = %scan3A_99#0, %scan3A_195 = %scan3A_99#1, %scan3A_196 = %scan3A_99#2, %scan3A_197 = %scan3A_99#3, %scan3A_198 = %scan3A_99#4, %scan3A_199 = %scan3A_99#5, %scan3A_200 = %scan3A_99#6, %scan3A_201 = %scan3A_99#7) -> (vector<16xf32>, vector<16xf32>, vector<16xf32>, vector<16xf32>, vector<16xf32>, vector<16xf32>, vector<16xf32>, vector<16xf32>)  : i32 {
      %mul3A_202 = arith.constant 128 : i32
      %mul3A_203 = arith.muli %scan3A_193, %mul3A_202 : i32
      %add3A_204 = arith.constant 0 : i32
      %add3A_205 = arith.addi %mul3A_203, %add3A_204 : i32
      %get3A = arith.index_cast %add3A_205 : i32 to index
      %get3A_206 = tpu.vector_load %arg4[%get3A] {strides = array<i32>} : memref<16000xf32, #tpu.memory_space<vmem>>, vector<16xf32>,
      %max3A = arith.maximumf %scan3A_194, %get3A_206 : vector<16xf32>
      %mul3A_207 = arith.constant 128 : i32
      %mul3A_208 = arith.muli %scan3A_193, %mul3A_207 : i32
      %add3A_209 = arith.constant 16 : i32
      %add3A_210 = arith.addi %mul3A_208, %add3A_209 : i32
      %get3A_211 = arith.index_cast %add3A_210 : i32 to index
      %get3A_212 = tpu.vector_load %arg4[%get3A_211] {strides = array<i32>} : memref<16000xf32, #tpu.memory_space<vmem>>, vector<16xf32>,
      %max3A_213 = arith.maximumf %scan3A_195, %get3A_212 : vector<16xf32>
      %mul3A_214 = arith.constant 128 : i32
      %mul3A_215 = arith.muli %scan3A_193, %mul3A_214 : i32
      %add3A_216 = arith.constant 32 : i32
      %add3A_217 = arith.addi %mul3A_215, %add3A_216 : i32
      %get3A_218 = arith.index_cast %add3A_217 : i32 to index
      %get3A_219 = tpu.vector_load %arg4[%get3A_218] {strides = array<i32>} : memref<16000xf32, #tpu.memory_space<vmem>>, vector<16xf32>,
      %max3A_220 = arith.maximumf %scan3A_196, %get3A_219 : vector<16xf32>
      %mul3A_221 = arith.constant 128 : i32
      %mul3A_222 = arith.muli %scan3A_193, %mul3A_221 : i32
      %add3A_223 = arith.constant 48 : i32
      %add3A_224 = arith.addi %mul3A_222, %add3A_223 : i32
      %get3A_225 = arith.index_cast %add3A_224 : i32 to index
      %get3A_226 = tpu.vector_load %arg4[%get3A_225] {strides = array<i32>} : memref<16000xf32, #tpu.memory_space<vmem>>, vector<16xf32>,
      %max3A_227 = arith.maximumf %scan3A_197, %get3A_226 : vector<16xf32>
      %mul3A_228 = arith.constant 128 : i32
      %mul3A_229 = arith.muli %scan3A_193, %mul3A_228 : i32
      %add3A_230 = arith.constant 64 : i32
      %add3A_231 = arith.addi %mul3A_229, %add3A_230 : i32
      %get3A_232 = arith.index_cast %add3A_231 : i32 to index
      %get3A_233 = tpu.vector_load %arg4[%get3A_232] {strides = array<i32>} : memref<16000xf32, #tpu.memory_space<vmem>>, vector<16xf32>,
      %max3A_234 = arith.maximumf %scan3A_198, %get3A_233 : vector<16xf32>
      %mul3A_235 = arith.constant 128 : i32
      %mul3A_236 = arith.muli %scan3A_193, %mul3A_235 : i32
      %add3A_237 = arith.constant 80 : i32
      %add3A_238 = arith.addi %mul3A_236, %add3A_237 : i32
      %get3A_239 = arith.index_cast %add3A_238 : i32 to index
      %get3A_240 = tpu.vector_load %arg4[%get3A_239] {strides = array<i32>} : memref<16000xf32, #tpu.memory_space<vmem>>, vector<16xf32>,
      %max3A_241 = arith.maximumf %scan3A_199, %get3A_240 : vector<16xf32>
      %mul3A_242 = arith.constant 128 : i32
      %mul3A_243 = arith.muli %scan3A_193, %mul3A_242 : i32
      %add3A_244 = arith.constant 96 : i32
      %add3A_245 = arith.addi %mul3A_243, %add3A_244 : i32
      %get3A_246 = arith.index_cast %add3A_245 : i32 to index
      %get3A_247 = tpu.vector_load %arg4[%get3A_246] {strides = array<i32>} : memref<16000xf32, #tpu.memory_space<vmem>>, vector<16xf32>,
      %max3A_248 = arith.maximumf %scan3A_200, %get3A_247 : vector<16xf32>
      %mul3A_249 = arith.constant 128 : i32
      %mul3A_250 = arith.muli %scan3A_193, %mul3A_249 : i32
      %add3A_251 = arith.constant 112 : i32
      %add3A_252 = arith.addi %mul3A_250, %add3A_251 : i32
      %get3A_253 = arith.index_cast %add3A_252 : i32 to index
      %get3A_254 = tpu.vector_load %arg4[%get3A_253] {strides = array<i32>} : memref<16000xf32, #tpu.memory_space<vmem>>, vector<16xf32>,
      %max3A_255 = arith.maximumf %scan3A_201, %get3A_254 : vector<16xf32>
      scf.yield %max3A, %max3A_213, %max3A_220, %max3A_227, %max3A_234, %max3A_241, %max3A_248, %max3A_255 : vector<16xf32>, vector<16xf32>, vector<16xf32>, vector<16xf32>, vector<16xf32>, vector<16xf32>, vector<16xf32>, vector<16xf32>
    }
    %scan3A_113 = arith.constant 125 : i32
    %add3A_114 = arith.constant 128000 : i32
    %add3A_115 = arith.addi %add3A_6, %add3A_114 : i32
    %multiple_of3A_116 = tpu.assume_multiple %add3A_115, 8 : i32
    %dma_start3A_117 = tpu.memref_slice %arg2[%multiple_of3A_116] : memref<12800000xf32, #tpu.memory_space<hbm>> -> memref<16000xf32, #tpu.memory_space<hbm>>
    %dma_start3A_118 = tpu.memref_slice %arg2[%multiple_of3A_116] : memref<12800000xf32, #tpu.memory_space<hbm>> -> memref<16000xf32, #tpu.memory_space<hbm>>
    tpu.enqueue_dma source(%dma_start3A_118 : memref<16000xf32, #tpu.memory_space<hbm>>) target(%arg4 : memref<16000xf32, #tpu.memory_space<vmem>>) target_semaphore(%arg9 : memref<!tpu.dma_semaphore, #tpu.memory_space<semaphore_mem>>)
    %dma_wait3A_119 = tpu.memref_slice %arg2[%multiple_of3A_103] : memref<12800000xf32, #tpu.memory_space<hbm>> -> memref<16000xf32, #tpu.memory_space<hbm>>
    %dma_wait3A_120 = tpu.memref_slice %arg2[%multiple_of3A_103] : memref<12800000xf32, #tpu.memory_space<hbm>> -> memref<16000xf32, #tpu.memory_space<hbm>>
    tpu.wait_dma2 semaphore(%arg10 : memref<!tpu.dma_semaphore, #tpu.memory_space<semaphore_mem>>) src(%dma_wait3A_120 : memref<16000xf32, #tpu.memory_space<hbm>>) dst(%arg5 : memref<16000xf32, #tpu.memory_space<vmem>>)
    %scan3A_121 = arith.constant 0 : i32
    %scan3A_122 = arith.constant 125 : i32
    %scan3A_123 = arith.addi %scan3A_121, %scan3A_122 : i32
    %scan3A_124 = arith.constant 1 : i32
    %scan3A_125:8 = scf.for %scan3A_193 = %scan3A_121 to %scan3A_123 step %scan3A_124 iter_args(%scan3A_194 = %scan3A_112#0, %scan3A_195 = %scan3A_112#1, %scan3A_196 = %scan3A_112#2, %scan3A_197 = %scan3A_112#3, %scan3A_198 = %scan3A_112#4, %scan3A_199 = %scan3A_112#5, %scan3A_200 = %scan3A_112#6, %scan3A_201 = %scan3A_112#7) -> (vector<16xf32>, vector<16xf32>, vector<16xf32>, vector<16xf32>, vector<16xf32>, vector<16xf32>, vector<16xf32>, vector<16xf32>)  : i32 {
      %mul3A_202 = arith.constant 128 : i32
      %mul3A_203 = arith.muli %scan3A_193, %mul3A_202 : i32
      %add3A_204 = arith.constant 0 : i32
      %add3A_205 = arith.addi %mul3A_203, %add3A_204 : i32
      %get3A = arith.index_cast %add3A_205 : i32 to index
      %get3A_206 = tpu.vector_load %arg5[%get3A] {strides = array<i32>} : memref<16000xf32, #tpu.memory_space<vmem>>, vector<16xf32>,
      %max3A = arith.maximumf %scan3A_194, %get3A_206 : vector<16xf32>
      %mul3A_207 = arith.constant 128 : i32
      %mul3A_208 = arith.muli %scan3A_193, %mul3A_207 : i32
      %add3A_209 = arith.constant 16 : i32
      %add3A_210 = arith.addi %mul3A_208, %add3A_209 : i32
      %get3A_211 = arith.index_cast %add3A_210 : i32 to index
      %get3A_212 = tpu.vector_load %arg5[%get3A_211] {strides = array<i32>} : memref<16000xf32, #tpu.memory_space<vmem>>, vector<16xf32>,
      %max3A_213 = arith.maximumf %scan3A_195, %get3A_212 : vector<16xf32>
      %mul3A_214 = arith.constant 128 : i32
      %mul3A_215 = arith.muli %scan3A_193, %mul3A_214 : i32
      %add3A_216 = arith.constant 32 : i32
      %add3A_217 = arith.addi %mul3A_215, %add3A_216 : i32
      %get3A_218 = arith.index_cast %add3A_217 : i32 to index
      %get3A_219 = tpu.vector_load %arg5[%get3A_218] {strides = array<i32>} : memref<16000xf32, #tpu.memory_space<vmem>>, vector<16xf32>,
      %max3A_220 = arith.maximumf %scan3A_196, %get3A_219 : vector<16xf32>
      %mul3A_221 = arith.constant 128 : i32
      %mul3A_222 = arith.muli %scan3A_193, %mul3A_221 : i32
      %add3A_223 = arith.constant 48 : i32
      %add3A_224 = arith.addi %mul3A_222, %add3A_223 : i32
      %get3A_225 = arith.index_cast %add3A_224 : i32 to index
      %get3A_226 = tpu.vector_load %arg5[%get3A_225] {strides = array<i32>} : memref<16000xf32, #tpu.memory_space<vmem>>, vector<16xf32>,
      %max3A_227 = arith.maximumf %scan3A_197, %get3A_226 : vector<16xf32>
      %mul3A_228 = arith.constant 128 : i32
      %mul3A_229 = arith.muli %scan3A_193, %mul3A_228 : i32
      %add3A_230 = arith.constant 64 : i32
      %add3A_231 = arith.addi %mul3A_229, %add3A_230 : i32
      %get3A_232 = arith.index_cast %add3A_231 : i32 to index
      %get3A_233 = tpu.vector_load %arg5[%get3A_232] {strides = array<i32>} : memref<16000xf32, #tpu.memory_space<vmem>>, vector<16xf32>,
      %max3A_234 = arith.maximumf %scan3A_198, %get3A_233 : vector<16xf32>
      %mul3A_235 = arith.constant 128 : i32
      %mul3A_236 = arith.muli %scan3A_193, %mul3A_235 : i32
      %add3A_237 = arith.constant 80 : i32
      %add3A_238 = arith.addi %mul3A_236, %add3A_237 : i32
      %get3A_239 = arith.index_cast %add3A_238 : i32 to index
      %get3A_240 = tpu.vector_load %arg5[%get3A_239] {strides = array<i32>} : memref<16000xf32, #tpu.memory_space<vmem>>, vector<16xf32>,
      %max3A_241 = arith.maximumf %scan3A_199, %get3A_240 : vector<16xf32>
      %mul3A_242 = arith.constant 128 : i32
      %mul3A_243 = arith.muli %scan3A_193, %mul3A_242 : i32
      %add3A_244 = arith.constant 96 : i32
      %add3A_245 = arith.addi %mul3A_243, %add3A_244 : i32
      %get3A_246 = arith.index_cast %add3A_245 : i32 to index
      %get3A_247 = tpu.vector_load %arg5[%get3A_246] {strides = array<i32>} : memref<16000xf32, #tpu.memory_space<vmem>>, vector<16xf32>,
      %max3A_248 = arith.maximumf %scan3A_200, %get3A_247 : vector<16xf32>
      %mul3A_249 = arith.constant 128 : i32
      %mul3A_250 = arith.muli %scan3A_193, %mul3A_249 : i32
      %add3A_251 = arith.constant 112 : i32
      %add3A_252 = arith.addi %mul3A_250, %add3A_251 : i32
      %get3A_253 = arith.index_cast %add3A_252 : i32 to index
      %get3A_254 = tpu.vector_load %arg5[%get3A_253] {strides = array<i32>} : memref<16000xf32, #tpu.memory_space<vmem>>, vector<16xf32>,
      %max3A_255 = arith.maximumf %scan3A_201, %get3A_254 : vector<16xf32>
      scf.yield %max3A, %max3A_213, %max3A_220, %max3A_227, %max3A_234, %max3A_241, %max3A_248, %max3A_255 : vector<16xf32>, vector<16xf32>, vector<16xf32>, vector<16xf32>, vector<16xf32>, vector<16xf32>, vector<16xf32>, vector<16xf32>
    }
    %scan3A_126 = arith.constant 125 : i32
    %add3A_127 = arith.constant 144000 : i32
    %add3A_128 = arith.addi %add3A_6, %add3A_127 : i32
    %multiple_of3A_129 = tpu.assume_multiple %add3A_128, 8 : i32
    %dma_start3A_130 = tpu.memref_slice %arg2[%multiple_of3A_129] : memref<12800000xf32, #tpu.memory_space<hbm>> -> memref<16000xf32, #tpu.memory_space<hbm>>
    %dma_start3A_131 = tpu.memref_slice %arg2[%multiple_of3A_129] : memref<12800000xf32, #tpu.memory_space<hbm>> -> memref<16000xf32, #tpu.memory_space<hbm>>
    tpu.enqueue_dma source(%dma_start3A_131 : memref<16000xf32, #tpu.memory_space<hbm>>) target(%arg5 : memref<16000xf32, #tpu.memory_space<vmem>>) target_semaphore(%arg10 : memref<!tpu.dma_semaphore, #tpu.memory_space<semaphore_mem>>)
    %dma_wait3A_132 = tpu.memref_slice %arg2[%multiple_of3A_116] : memref<12800000xf32, #tpu.memory_space<hbm>> -> memref<16000xf32, #tpu.memory_space<hbm>>
    %dma_wait3A_133 = tpu.memref_slice %arg2[%multiple_of3A_116] : memref<12800000xf32, #tpu.memory_space<hbm>> -> memref<16000xf32, #tpu.memory_space<hbm>>
    tpu.wait_dma2 semaphore(%arg9 : memref<!tpu.dma_semaphore, #tpu.memory_space<semaphore_mem>>) src(%dma_wait3A_133 : memref<16000xf32, #tpu.memory_space<hbm>>) dst(%arg4 : memref<16000xf32, #tpu.memory_space<vmem>>)
    %scan3A_134 = arith.constant 0 : i32
    %scan3A_135 = arith.constant 125 : i32
    %scan3A_136 = arith.addi %scan3A_134, %scan3A_135 : i32
    %scan3A_137 = arith.constant 1 : i32
    %scan3A_138:8 = scf.for %scan3A_193 = %scan3A_134 to %scan3A_136 step %scan3A_137 iter_args(%scan3A_194 = %scan3A_125#0, %scan3A_195 = %scan3A_125#1, %scan3A_196 = %scan3A_125#2, %scan3A_197 = %scan3A_125#3, %scan3A_198 = %scan3A_125#4, %scan3A_199 = %scan3A_125#5, %scan3A_200 = %scan3A_125#6, %scan3A_201 = %scan3A_125#7) -> (vector<16xf32>, vector<16xf32>, vector<16xf32>, vector<16xf32>, vector<16xf32>, vector<16xf32>, vector<16xf32>, vector<16xf32>)  : i32 {
      %mul3A_202 = arith.constant 128 : i32
      %mul3A_203 = arith.muli %scan3A_193, %mul3A_202 : i32
      %add3A_204 = arith.constant 0 : i32
      %add3A_205 = arith.addi %mul3A_203, %add3A_204 : i32
      %get3A = arith.index_cast %add3A_205 : i32 to index
      %get3A_206 = tpu.vector_load %arg4[%get3A] {strides = array<i32>} : memref<16000xf32, #tpu.memory_space<vmem>>, vector<16xf32>,
      %max3A = arith.maximumf %scan3A_194, %get3A_206 : vector<16xf32>
      %mul3A_207 = arith.constant 128 : i32
      %mul3A_208 = arith.muli %scan3A_193, %mul3A_207 : i32
      %add3A_209 = arith.constant 16 : i32
      %add3A_210 = arith.addi %mul3A_208, %add3A_209 : i32
      %get3A_211 = arith.index_cast %add3A_210 : i32 to index
      %get3A_212 = tpu.vector_load %arg4[%get3A_211] {strides = array<i32>} : memref<16000xf32, #tpu.memory_space<vmem>>, vector<16xf32>,
      %max3A_213 = arith.maximumf %scan3A_195, %get3A_212 : vector<16xf32>
      %mul3A_214 = arith.constant 128 : i32
      %mul3A_215 = arith.muli %scan3A_193, %mul3A_214 : i32
      %add3A_216 = arith.constant 32 : i32
      %add3A_217 = arith.addi %mul3A_215, %add3A_216 : i32
      %get3A_218 = arith.index_cast %add3A_217 : i32 to index
      %get3A_219 = tpu.vector_load %arg4[%get3A_218] {strides = array<i32>} : memref<16000xf32, #tpu.memory_space<vmem>>, vector<16xf32>,
      %max3A_220 = arith.maximumf %scan3A_196, %get3A_219 : vector<16xf32>
      %mul3A_221 = arith.constant 128 : i32
      %mul3A_222 = arith.muli %scan3A_193, %mul3A_221 : i32
      %add3A_223 = arith.constant 48 : i32
      %add3A_224 = arith.addi %mul3A_222, %add3A_223 : i32
      %get3A_225 = arith.index_cast %add3A_224 : i32 to index
      %get3A_226 = tpu.vector_load %arg4[%get3A_225] {strides = array<i32>} : memref<16000xf32, #tpu.memory_space<vmem>>, vector<16xf32>,
      %max3A_227 = arith.maximumf %scan3A_197, %get3A_226 : vector<16xf32>
      %mul3A_228 = arith.constant 128 : i32
      %mul3A_229 = arith.muli %scan3A_193, %mul3A_228 : i32
      %add3A_230 = arith.constant 64 : i32
      %add3A_231 = arith.addi %mul3A_229, %add3A_230 : i32
      %get3A_232 = arith.index_cast %add3A_231 : i32 to index
      %get3A_233 = tpu.vector_load %arg4[%get3A_232] {strides = array<i32>} : memref<16000xf32, #tpu.memory_space<vmem>>, vector<16xf32>,
      %max3A_234 = arith.maximumf %scan3A_198, %get3A_233 : vector<16xf32>
      %mul3A_235 = arith.constant 128 : i32
      %mul3A_236 = arith.muli %scan3A_193, %mul3A_235 : i32
      %add3A_237 = arith.constant 80 : i32
      %add3A_238 = arith.addi %mul3A_236, %add3A_237 : i32
      %get3A_239 = arith.index_cast %add3A_238 : i32 to index
      %get3A_240 = tpu.vector_load %arg4[%get3A_239] {strides = array<i32>} : memref<16000xf32, #tpu.memory_space<vmem>>, vector<16xf32>,
      %max3A_241 = arith.maximumf %scan3A_199, %get3A_240 : vector<16xf32>
      %mul3A_242 = arith.constant 128 : i32
      %mul3A_243 = arith.muli %scan3A_193, %mul3A_242 : i32
      %add3A_244 = arith.constant 96 : i32
      %add3A_245 = arith.addi %mul3A_243, %add3A_244 : i32
      %get3A_246 = arith.index_cast %add3A_245 : i32 to index
      %get3A_247 = tpu.vector_load %arg4[%get3A_246] {strides = array<i32>} : memref<16000xf32, #tpu.memory_space<vmem>>, vector<16xf32>,
      %max3A_248 = arith.maximumf %scan3A_200, %get3A_247 : vector<16xf32>
      %mul3A_249 = arith.constant 128 : i32
      %mul3A_250 = arith.muli %scan3A_193, %mul3A_249 : i32
      %add3A_251 = arith.constant 112 : i32
      %add3A_252 = arith.addi %mul3A_250, %add3A_251 : i32
      %get3A_253 = arith.index_cast %add3A_252 : i32 to index
      %get3A_254 = tpu.vector_load %arg4[%get3A_253] {strides = array<i32>} : memref<16000xf32, #tpu.memory_space<vmem>>, vector<16xf32>,
      %max3A_255 = arith.maximumf %scan3A_201, %get3A_254 : vector<16xf32>
      scf.yield %max3A, %max3A_213, %max3A_220, %max3A_227, %max3A_234, %max3A_241, %max3A_248, %max3A_255 : vector<16xf32>, vector<16xf32>, vector<16xf32>, vector<16xf32>, vector<16xf32>, vector<16xf32>, vector<16xf32>, vector<16xf32>
    }
    %scan3A_139 = arith.constant 125 : i32
    %add3A_140 = arith.constant 160000 : i32
    %add3A_141 = arith.addi %add3A_6, %add3A_140 : i32
    %multiple_of3A_142 = tpu.assume_multiple %add3A_141, 8 : i32
    %dma_start3A_143 = tpu.memref_slice %arg2[%multiple_of3A_142] : memref<12800000xf32, #tpu.memory_space<hbm>> -> memref<16000xf32, #tpu.memory_space<hbm>>
    %dma_start3A_144 = tpu.memref_slice %arg2[%multiple_of3A_142] : memref<12800000xf32, #tpu.memory_space<hbm>> -> memref<16000xf32, #tpu.memory_space<hbm>>
    tpu.enqueue_dma source(%dma_start3A_144 : memref<16000xf32, #tpu.memory_space<hbm>>) target(%arg4 : memref<16000xf32, #tpu.memory_space<vmem>>) target_semaphore(%arg9 : memref<!tpu.dma_semaphore, #tpu.memory_space<semaphore_mem>>)
    %dma_wait3A_145 = tpu.memref_slice %arg2[%multiple_of3A_129] : memref<12800000xf32, #tpu.memory_space<hbm>> -> memref<16000xf32, #tpu.memory_space<hbm>>
    %dma_wait3A_146 = tpu.memref_slice %arg2[%multiple_of3A_129] : memref<12800000xf32, #tpu.memory_space<hbm>> -> memref<16000xf32, #tpu.memory_space<hbm>>
    tpu.wait_dma2 semaphore(%arg10 : memref<!tpu.dma_semaphore, #tpu.memory_space<semaphore_mem>>) src(%dma_wait3A_146 : memref<16000xf32, #tpu.memory_space<hbm>>) dst(%arg5 : memref<16000xf32, #tpu.memory_space<vmem>>)
    %scan3A_147 = arith.constant 0 : i32
    %scan3A_148 = arith.constant 125 : i32
    %scan3A_149 = arith.addi %scan3A_147, %scan3A_148 : i32
    %scan3A_150 = arith.constant 1 : i32
    %scan3A_151:8 = scf.for %scan3A_193 = %scan3A_147 to %scan3A_149 step %scan3A_150 iter_args(%scan3A_194 = %scan3A_138#0, %scan3A_195 = %scan3A_138#1, %scan3A_196 = %scan3A_138#2, %scan3A_197 = %scan3A_138#3, %scan3A_198 = %scan3A_138#4, %scan3A_199 = %scan3A_138#5, %scan3A_200 = %scan3A_138#6, %scan3A_201 = %scan3A_138#7) -> (vector<16xf32>, vector<16xf32>, vector<16xf32>, vector<16xf32>, vector<16xf32>, vector<16xf32>, vector<16xf32>, vector<16xf32>)  : i32 {
      %mul3A_202 = arith.constant 128 : i32
      %mul3A_203 = arith.muli %scan3A_193, %mul3A_202 : i32
      %add3A_204 = arith.constant 0 : i32
      %add3A_205 = arith.addi %mul3A_203, %add3A_204 : i32
      %get3A = arith.index_cast %add3A_205 : i32 to index
      %get3A_206 = tpu.vector_load %arg5[%get3A] {strides = array<i32>} : memref<16000xf32, #tpu.memory_space<vmem>>, vector<16xf32>,
      %max3A = arith.maximumf %scan3A_194, %get3A_206 : vector<16xf32>
      %mul3A_207 = arith.constant 128 : i32
      %mul3A_208 = arith.muli %scan3A_193, %mul3A_207 : i32
      %add3A_209 = arith.constant 16 : i32
      %add3A_210 = arith.addi %mul3A_208, %add3A_209 : i32
      %get3A_211 = arith.index_cast %add3A_210 : i32 to index
      %get3A_212 = tpu.vector_load %arg5[%get3A_211] {strides = array<i32>} : memref<16000xf32, #tpu.memory_space<vmem>>, vector<16xf32>,
      %max3A_213 = arith.maximumf %scan3A_195, %get3A_212 : vector<16xf32>
      %mul3A_214 = arith.constant 128 : i32
      %mul3A_215 = arith.muli %scan3A_193, %mul3A_214 : i32
      %add3A_216 = arith.constant 32 : i32
      %add3A_217 = arith.addi %mul3A_215, %add3A_216 : i32
      %get3A_218 = arith.index_cast %add3A_217 : i32 to index
      %get3A_219 = tpu.vector_load %arg5[%get3A_218] {strides = array<i32>} : memref<16000xf32, #tpu.memory_space<vmem>>, vector<16xf32>,
      %max3A_220 = arith.maximumf %scan3A_196, %get3A_219 : vector<16xf32>
      %mul3A_221 = arith.constant 128 : i32
      %mul3A_222 = arith.muli %scan3A_193, %mul3A_221 : i32
      %add3A_223 = arith.constant 48 : i32
      %add3A_224 = arith.addi %mul3A_222, %add3A_223 : i32
      %get3A_225 = arith.index_cast %add3A_224 : i32 to index
      %get3A_226 = tpu.vector_load %arg5[%get3A_225] {strides = array<i32>} : memref<16000xf32, #tpu.memory_space<vmem>>, vector<16xf32>,
      %max3A_227 = arith.maximumf %scan3A_197, %get3A_226 : vector<16xf32>
      %mul3A_228 = arith.constant 128 : i32
      %mul3A_229 = arith.muli %scan3A_193, %mul3A_228 : i32
      %add3A_230 = arith.constant 64 : i32
      %add3A_231 = arith.addi %mul3A_229, %add3A_230 : i32
      %get3A_232 = arith.index_cast %add3A_231 : i32 to index
      %get3A_233 = tpu.vector_load %arg5[%get3A_232] {strides = array<i32>} : memref<16000xf32, #tpu.memory_space<vmem>>, vector<16xf32>,
      %max3A_234 = arith.maximumf %scan3A_198, %get3A_233 : vector<16xf32>
      %mul3A_235 = arith.constant 128 : i32
      %mul3A_236 = arith.muli %scan3A_193, %mul3A_235 : i32
      %add3A_237 = arith.constant 80 : i32
      %add3A_238 = arith.addi %mul3A_236, %add3A_237 : i32
      %get3A_239 = arith.index_cast %add3A_238 : i32 to index
      %get3A_240 = tpu.vector_load %arg5[%get3A_239] {strides = array<i32>} : memref<16000xf32, #tpu.memory_space<vmem>>, vector<16xf32>,
      %max3A_241 = arith.maximumf %scan3A_199, %get3A_240 : vector<16xf32>
      %mul3A_242 = arith.constant 128 : i32
      %mul3A_243 = arith.muli %scan3A_193, %mul3A_242 : i32
      %add3A_244 = arith.constant 96 : i32
      %add3A_245 = arith.addi %mul3A_243, %add3A_244 : i32
      %get3A_246 = arith.index_cast %add3A_245 : i32 to index
      %get3A_247 = tpu.vector_load %arg5[%get3A_246] {strides = array<i32>} : memref<16000xf32, #tpu.memory_space<vmem>>, vector<16xf32>,
      %max3A_248 = arith.maximumf %scan3A_200, %get3A_247 : vector<16xf32>
      %mul3A_249 = arith.constant 128 : i32
      %mul3A_250 = arith.muli %scan3A_193, %mul3A_249 : i32
      %add3A_251 = arith.constant 112 : i32
      %add3A_252 = arith.addi %mul3A_250, %add3A_251 : i32
      %get3A_253 = arith.index_cast %add3A_252 : i32 to index
      %get3A_254 = tpu.vector_load %arg5[%get3A_253] {strides = array<i32>} : memref<16000xf32, #tpu.memory_space<vmem>>, vector<16xf32>,
      %max3A_255 = arith.maximumf %scan3A_201, %get3A_254 : vector<16xf32>
      scf.yield %max3A, %max3A_213, %max3A_220, %max3A_227, %max3A_234, %max3A_241, %max3A_248, %max3A_255 : vector<16xf32>, vector<16xf32>, vector<16xf32>, vector<16xf32>, vector<16xf32>, vector<16xf32>, vector<16xf32>, vector<16xf32>
    }
    %scan3A_152 = arith.constant 125 : i32
    %add3A_153 = arith.constant 176000 : i32
    %add3A_154 = arith.addi %add3A_6, %add3A_153 : i32
    %multiple_of3A_155 = tpu.assume_multiple %add3A_154, 8 : i32
    %dma_start3A_156 = tpu.memref_slice %arg2[%multiple_of3A_155] : memref<12800000xf32, #tpu.memory_space<hbm>> -> memref<16000xf32, #tpu.memory_space<hbm>>
    %dma_start3A_157 = tpu.memref_slice %arg2[%multiple_of3A_155] : memref<12800000xf32, #tpu.memory_space<hbm>> -> memref<16000xf32, #tpu.memory_space<hbm>>
    tpu.enqueue_dma source(%dma_start3A_157 : memref<16000xf32, #tpu.memory_space<hbm>>) target(%arg5 : memref<16000xf32, #tpu.memory_space<vmem>>) target_semaphore(%arg10 : memref<!tpu.dma_semaphore, #tpu.memory_space<semaphore_mem>>)
    %dma_wait3A_158 = tpu.memref_slice %arg2[%multiple_of3A_142] : memref<12800000xf32, #tpu.memory_space<hbm>> -> memref<16000xf32, #tpu.memory_space<hbm>>
    %dma_wait3A_159 = tpu.memref_slice %arg2[%multiple_of3A_142] : memref<12800000xf32, #tpu.memory_space<hbm>> -> memref<16000xf32, #tpu.memory_space<hbm>>
    tpu.wait_dma2 semaphore(%arg9 : memref<!tpu.dma_semaphore, #tpu.memory_space<semaphore_mem>>) src(%dma_wait3A_159 : memref<16000xf32, #tpu.memory_space<hbm>>) dst(%arg4 : memref<16000xf32, #tpu.memory_space<vmem>>)
    %scan3A_160 = arith.constant 0 : i32
    %scan3A_161 = arith.constant 125 : i32
    %scan3A_162 = arith.addi %scan3A_160, %scan3A_161 : i32
    %scan3A_163 = arith.constant 1 : i32
    %scan3A_164:8 = scf.for %scan3A_193 = %scan3A_160 to %scan3A_162 step %scan3A_163 iter_args(%scan3A_194 = %scan3A_151#0, %scan3A_195 = %scan3A_151#1, %scan3A_196 = %scan3A_151#2, %scan3A_197 = %scan3A_151#3, %scan3A_198 = %scan3A_151#4, %scan3A_199 = %scan3A_151#5, %scan3A_200 = %scan3A_151#6, %scan3A_201 = %scan3A_151#7) -> (vector<16xf32>, vector<16xf32>, vector<16xf32>, vector<16xf32>, vector<16xf32>, vector<16xf32>, vector<16xf32>, vector<16xf32>)  : i32 {
      %mul3A_202 = arith.constant 128 : i32
      %mul3A_203 = arith.muli %scan3A_193, %mul3A_202 : i32
      %add3A_204 = arith.constant 0 : i32
      %add3A_205 = arith.addi %mul3A_203, %add3A_204 : i32
      %get3A = arith.index_cast %add3A_205 : i32 to index
      %get3A_206 = tpu.vector_load %arg4[%get3A] {strides = array<i32>} : memref<16000xf32, #tpu.memory_space<vmem>>, vector<16xf32>,
      %max3A = arith.maximumf %scan3A_194, %get3A_206 : vector<16xf32>
      %mul3A_207 = arith.constant 128 : i32
      %mul3A_208 = arith.muli %scan3A_193, %mul3A_207 : i32
      %add3A_209 = arith.constant 16 : i32
      %add3A_210 = arith.addi %mul3A_208, %add3A_209 : i32
      %get3A_211 = arith.index_cast %add3A_210 : i32 to index
      %get3A_212 = tpu.vector_load %arg4[%get3A_211] {strides = array<i32>} : memref<16000xf32, #tpu.memory_space<vmem>>, vector<16xf32>,
      %max3A_213 = arith.maximumf %scan3A_195, %get3A_212 : vector<16xf32>
      %mul3A_214 = arith.constant 128 : i32
      %mul3A_215 = arith.muli %scan3A_193, %mul3A_214 : i32
      %add3A_216 = arith.constant 32 : i32
      %add3A_217 = arith.addi %mul3A_215, %add3A_216 : i32
      %get3A_218 = arith.index_cast %add3A_217 : i32 to index
      %get3A_219 = tpu.vector_load %arg4[%get3A_218] {strides = array<i32>} : memref<16000xf32, #tpu.memory_space<vmem>>, vector<16xf32>,
      %max3A_220 = arith.maximumf %scan3A_196, %get3A_219 : vector<16xf32>
      %mul3A_221 = arith.constant 128 : i32
      %mul3A_222 = arith.muli %scan3A_193, %mul3A_221 : i32
      %add3A_223 = arith.constant 48 : i32
      %add3A_224 = arith.addi %mul3A_222, %add3A_223 : i32
      %get3A_225 = arith.index_cast %add3A_224 : i32 to index
      %get3A_226 = tpu.vector_load %arg4[%get3A_225] {strides = array<i32>} : memref<16000xf32, #tpu.memory_space<vmem>>, vector<16xf32>,
      %max3A_227 = arith.maximumf %scan3A_197, %get3A_226 : vector<16xf32>
      %mul3A_228 = arith.constant 128 : i32
      %mul3A_229 = arith.muli %scan3A_193, %mul3A_228 : i32
      %add3A_230 = arith.constant 64 : i32
      %add3A_231 = arith.addi %mul3A_229, %add3A_230 : i32
      %get3A_232 = arith.index_cast %add3A_231 : i32 to index
      %get3A_233 = tpu.vector_load %arg4[%get3A_232] {strides = array<i32>} : memref<16000xf32, #tpu.memory_space<vmem>>, vector<16xf32>,
      %max3A_234 = arith.maximumf %scan3A_198, %get3A_233 : vector<16xf32>
      %mul3A_235 = arith.constant 128 : i32
      %mul3A_236 = arith.muli %scan3A_193, %mul3A_235 : i32
      %add3A_237 = arith.constant 80 : i32
      %add3A_238 = arith.addi %mul3A_236, %add3A_237 : i32
      %get3A_239 = arith.index_cast %add3A_238 : i32 to index
      %get3A_240 = tpu.vector_load %arg4[%get3A_239] {strides = array<i32>} : memref<16000xf32, #tpu.memory_space<vmem>>, vector<16xf32>,
      %max3A_241 = arith.maximumf %scan3A_199, %get3A_240 : vector<16xf32>
      %mul3A_242 = arith.constant 128 : i32
      %mul3A_243 = arith.muli %scan3A_193, %mul3A_242 : i32
      %add3A_244 = arith.constant 96 : i32
      %add3A_245 = arith.addi %mul3A_243, %add3A_244 : i32
      %get3A_246 = arith.index_cast %add3A_245 : i32 to index
      %get3A_247 = tpu.vector_load %arg4[%get3A_246] {strides = array<i32>} : memref<16000xf32, #tpu.memory_space<vmem>>, vector<16xf32>,
      %max3A_248 = arith.maximumf %scan3A_200, %get3A_247 : vector<16xf32>
      %mul3A_249 = arith.constant 128 : i32
      %mul3A_250 = arith.muli %scan3A_193, %mul3A_249 : i32
      %add3A_251 = arith.constant 112 : i32
      %add3A_252 = arith.addi %mul3A_250, %add3A_251 : i32
      %get3A_253 = arith.index_cast %add3A_252 : i32 to index
      %get3A_254 = tpu.vector_load %arg4[%get3A_253] {strides = array<i32>} : memref<16000xf32, #tpu.memory_space<vmem>>, vector<16xf32>,
      %max3A_255 = arith.maximumf %scan3A_201, %get3A_254 : vector<16xf32>
      scf.yield %max3A, %max3A_213, %max3A_220, %max3A_227, %max3A_234, %max3A_241, %max3A_248, %max3A_255 : vector<16xf32>, vector<16xf32>, vector<16xf32>, vector<16xf32>, vector<16xf32>, vector<16xf32>, vector<16xf32>, vector<16xf32>
    }
    %scan3A_165 = arith.constant 125 : i32
    %dma_wait3A_166 = tpu.memref_slice %arg2[%multiple_of3A_155] : memref<12800000xf32, #tpu.memory_space<hbm>> -> memref<16000xf32, #tpu.memory_space<hbm>>
    %dma_wait3A_167 = tpu.memref_slice %arg2[%multiple_of3A_155] : memref<12800000xf32, #tpu.memory_space<hbm>> -> memref<16000xf32, #tpu.memory_space<hbm>>
    tpu.wait_dma2 semaphore(%arg10 : memref<!tpu.dma_semaphore, #tpu.memory_space<semaphore_mem>>) src(%dma_wait3A_167 : memref<16000xf32, #tpu.memory_space<hbm>>) dst(%arg5 : memref<16000xf32, #tpu.memory_space<vmem>>)
    %scan3A_168 = arith.constant 0 : i32
    %scan3A_169 = arith.constant 125 : i32
    %scan3A_170 = arith.addi %scan3A_168, %scan3A_169 : i32
    %scan3A_171 = arith.constant 1 : i32
    %scan3A_172:8 = scf.for %scan3A_193 = %scan3A_168 to %scan3A_170 step %scan3A_171 iter_args(%scan3A_194 = %scan3A_164#0, %scan3A_195 = %scan3A_164#1, %scan3A_196 = %scan3A_164#2, %scan3A_197 = %scan3A_164#3, %scan3A_198 = %scan3A_164#4, %scan3A_199 = %scan3A_164#5, %scan3A_200 = %scan3A_164#6, %scan3A_201 = %scan3A_164#7) -> (vector<16xf32>, vector<16xf32>, vector<16xf32>, vector<16xf32>, vector<16xf32>, vector<16xf32>, vector<16xf32>, vector<16xf32>)  : i32 {
      %mul3A_202 = arith.constant 128 : i32
      %mul3A_203 = arith.muli %scan3A_193, %mul3A_202 : i32
      %add3A_204 = arith.constant 0 : i32
      %add3A_205 = arith.addi %mul3A_203, %add3A_204 : i32
      %get3A = arith.index_cast %add3A_205 : i32 to index
      %get3A_206 = tpu.vector_load %arg5[%get3A] {strides = array<i32>} : memref<16000xf32, #tpu.memory_space<vmem>>, vector<16xf32>,
      %max3A = arith.maximumf %scan3A_194, %get3A_206 : vector<16xf32>
      %mul3A_207 = arith.constant 128 : i32
      %mul3A_208 = arith.muli %scan3A_193, %mul3A_207 : i32
      %add3A_209 = arith.constant 16 : i32
      %add3A_210 = arith.addi %mul3A_208, %add3A_209 : i32
      %get3A_211 = arith.index_cast %add3A_210 : i32 to index
      %get3A_212 = tpu.vector_load %arg5[%get3A_211] {strides = array<i32>} : memref<16000xf32, #tpu.memory_space<vmem>>, vector<16xf32>,
      %max3A_213 = arith.maximumf %scan3A_195, %get3A_212 : vector<16xf32>
      %mul3A_214 = arith.constant 128 : i32
      %mul3A_215 = arith.muli %scan3A_193, %mul3A_214 : i32
      %add3A_216 = arith.constant 32 : i32
      %add3A_217 = arith.addi %mul3A_215, %add3A_216 : i32
      %get3A_218 = arith.index_cast %add3A_217 : i32 to index
      %get3A_219 = tpu.vector_load %arg5[%get3A_218] {strides = array<i32>} : memref<16000xf32, #tpu.memory_space<vmem>>, vector<16xf32>,
      %max3A_220 = arith.maximumf %scan3A_196, %get3A_219 : vector<16xf32>
      %mul3A_221 = arith.constant 128 : i32
      %mul3A_222 = arith.muli %scan3A_193, %mul3A_221 : i32
      %add3A_223 = arith.constant 48 : i32
      %add3A_224 = arith.addi %mul3A_222, %add3A_223 : i32
      %get3A_225 = arith.index_cast %add3A_224 : i32 to index
      %get3A_226 = tpu.vector_load %arg5[%get3A_225] {strides = array<i32>} : memref<16000xf32, #tpu.memory_space<vmem>>, vector<16xf32>,
      %max3A_227 = arith.maximumf %scan3A_197, %get3A_226 : vector<16xf32>
      %mul3A_228 = arith.constant 128 : i32
      %mul3A_229 = arith.muli %scan3A_193, %mul3A_228 : i32
      %add3A_230 = arith.constant 64 : i32
      %add3A_231 = arith.addi %mul3A_229, %add3A_230 : i32
      %get3A_232 = arith.index_cast %add3A_231 : i32 to index
      %get3A_233 = tpu.vector_load %arg5[%get3A_232] {strides = array<i32>} : memref<16000xf32, #tpu.memory_space<vmem>>, vector<16xf32>,
      %max3A_234 = arith.maximumf %scan3A_198, %get3A_233 : vector<16xf32>
      %mul3A_235 = arith.constant 128 : i32
      %mul3A_236 = arith.muli %scan3A_193, %mul3A_235 : i32
      %add3A_237 = arith.constant 80 : i32
      %add3A_238 = arith.addi %mul3A_236, %add3A_237 : i32
      %get3A_239 = arith.index_cast %add3A_238 : i32 to index
      %get3A_240 = tpu.vector_load %arg5[%get3A_239] {strides = array<i32>} : memref<16000xf32, #tpu.memory_space<vmem>>, vector<16xf32>,
      %max3A_241 = arith.maximumf %scan3A_199, %get3A_240 : vector<16xf32>
      %mul3A_242 = arith.constant 128 : i32
      %mul3A_243 = arith.muli %scan3A_193, %mul3A_242 : i32
      %add3A_244 = arith.constant 96 : i32
      %add3A_245 = arith.addi %mul3A_243, %add3A_244 : i32
      %get3A_246 = arith.index_cast %add3A_245 : i32 to index
      %get3A_247 = tpu.vector_load %arg5[%get3A_246] {strides = array<i32>} : memref<16000xf32, #tpu.memory_space<vmem>>, vector<16xf32>,
      %max3A_248 = arith.maximumf %scan3A_200, %get3A_247 : vector<16xf32>
      %mul3A_249 = arith.constant 128 : i32
      %mul3A_250 = arith.muli %scan3A_193, %mul3A_249 : i32
      %add3A_251 = arith.constant 112 : i32
      %add3A_252 = arith.addi %mul3A_250, %add3A_251 : i32
      %get3A_253 = arith.index_cast %add3A_252 : i32 to index
      %get3A_254 = tpu.vector_load %arg5[%get3A_253] {strides = array<i32>} : memref<16000xf32, #tpu.memory_space<vmem>>, vector<16xf32>,
      %max3A_255 = arith.maximumf %scan3A_201, %get3A_254 : vector<16xf32>
      scf.yield %max3A, %max3A_213, %max3A_220, %max3A_227, %max3A_234, %max3A_241, %max3A_248, %max3A_255 : vector<16xf32>, vector<16xf32>, vector<16xf32>, vector<16xf32>, vector<16xf32>, vector<16xf32>, vector<16xf32>, vector<16xf32>
    }
    %scan3A_173 = arith.constant 125 : i32
    %swap3A = arith.constant 0 : index
    %swap3A_174 = tpu.vector_load %arg6[%swap3A] {strides = array<i32>} : memref<128xf32, #tpu.memory_space<vmem>>, vector<16xf32>,
    tpu.vector_store %arg6[%swap3A], %scan3A_172#0 {strides = array<i32>} : memref<128xf32, #tpu.memory_space<vmem>>, vector<16xf32>,
    %swap3A_175 = arith.constant 16 : index
    %swap3A_176 = tpu.vector_load %arg6[%swap3A_175] {strides = array<i32>} : memref<128xf32, #tpu.memory_space<vmem>>, vector<16xf32>,
    tpu.vector_store %arg6[%swap3A_175], %scan3A_172#1 {strides = array<i32>} : memref<128xf32, #tpu.memory_space<vmem>>, vector<16xf32>,
    %swap3A_177 = arith.constant 32 : index
    %swap3A_178 = tpu.vector_load %arg6[%swap3A_177] {strides = array<i32>} : memref<128xf32, #tpu.memory_space<vmem>>, vector<16xf32>,
    tpu.vector_store %arg6[%swap3A_177], %scan3A_172#2 {strides = array<i32>} : memref<128xf32, #tpu.memory_space<vmem>>, vector<16xf32>,
    %swap3A_179 = arith.constant 48 : index
    %swap3A_180 = tpu.vector_load %arg6[%swap3A_179] {strides = array<i32>} : memref<128xf32, #tpu.memory_space<vmem>>, vector<16xf32>,
    tpu.vector_store %arg6[%swap3A_179], %scan3A_172#3 {strides = array<i32>} : memref<128xf32, #tpu.memory_space<vmem>>, vector<16xf32>,
    %swap3A_181 = arith.constant 64 : index
    %swap3A_182 = tpu.vector_load %arg6[%swap3A_181] {strides = array<i32>} : memref<128xf32, #tpu.memory_space<vmem>>, vector<16xf32>,
    tpu.vector_store %arg6[%swap3A_181], %scan3A_172#4 {strides = array<i32>} : memref<128xf32, #tpu.memory_space<vmem>>, vector<16xf32>,
    %swap3A_183 = arith.constant 80 : index
    %swap3A_184 = tpu.vector_load %arg6[%swap3A_183] {strides = array<i32>} : memref<128xf32, #tpu.memory_space<vmem>>, vector<16xf32>,
    tpu.vector_store %arg6[%swap3A_183], %scan3A_172#5 {strides = array<i32>} : memref<128xf32, #tpu.memory_space<vmem>>, vector<16xf32>,
    %swap3A_185 = arith.constant 96 : index
    %swap3A_186 = tpu.vector_load %arg6[%swap3A_185] {strides = array<i32>} : memref<128xf32, #tpu.memory_space<vmem>>, vector<16xf32>,
    tpu.vector_store %arg6[%swap3A_185], %scan3A_172#6 {strides = array<i32>} : memref<128xf32, #tpu.memory_space<vmem>>, vector<16xf32>,
    %swap3A_187 = arith.constant 112 : index
    %swap3A_188 = tpu.vector_load %arg6[%swap3A_187] {strides = array<i32>} : memref<128xf32, #tpu.memory_space<vmem>>, vector<16xf32>,
    tpu.vector_store %arg6[%swap3A_187], %scan3A_172#7 {strides = array<i32>} : memref<128xf32, #tpu.memory_space<vmem>>, vector<16xf32>,
    %mul3A_189 = arith.constant 128 : i32
    %mul3A_190 = arith.muli %arg1, %mul3A_189 : i32
    "tpu.region"() ({
      %run_scoped3A = tpu.sem_alloc : memref<!tpu.dma_semaphore, #tpu.memory_space<semaphore_mem>>
      %dma_start3A_193 = tpu.memref_slice %arg8[%mul3A_190] : memref<2048xf32, #tpu.memory_space<vmem_shared>> -> memref<128xf32, #tpu.memory_space<vmem_shared>>
      %dma_start3A_194 = tpu.memref_slice %arg8[%mul3A_190] : memref<2048xf32, #tpu.memory_space<vmem_shared>> -> memref<128xf32, #tpu.memory_space<vmem_shared>>
      tpu.enqueue_dma source(%arg6 : memref<128xf32, #tpu.memory_space<vmem>>) target(%dma_start3A_194 : memref<128xf32, #tpu.memory_space<vmem_shared>>) target_semaphore(%run_scoped3A : memref<!tpu.dma_semaphore, #tpu.memory_space<semaphore_mem>>)
      %dma_wait3A_195 = tpu.memref_slice %arg8[%mul3A_190] : memref<2048xf32, #tpu.memory_space<vmem_shared>> -> memref<128xf32, #tpu.memory_space<vmem_shared>>
      %dma_wait3A_196 = tpu.memref_slice %arg8[%mul3A_190] : memref<2048xf32, #tpu.memory_space<vmem_shared>> -> memref<128xf32, #tpu.memory_space<vmem_shared>>
      tpu.wait_dma2 semaphore(%run_scoped3A : memref<!tpu.dma_semaphore, #tpu.memory_space<semaphore_mem>>) src(%arg6 : memref<128xf32, #tpu.memory_space<vmem>>) dst(%dma_wait3A_196 : memref<128xf32, #tpu.memory_space<vmem_shared>>)
      tpu.yield
    }) : () -> ()
    %barrier3A = arith.constant 0 : index
    tpu.barrier barrier_id(%barrier3A)
    %eq3A = arith.constant 0 : i32
    %eq3A_191 = arith.cmpi eq, %arg1, %eq3A : i32
    %convert_element_type3A = arith.extui %eq3A_191 : i1 to i32
    %cond3A = arith.constant 0 : i32
    %cond3A_192 = arith.cmpi ne, %convert_element_type3A, %cond3A : i32
    scf.if %cond3A_192 {
      "tpu.region"() ({
        %run_scoped3A = tpu.sem_alloc : memref<!tpu.dma_semaphore, #tpu.memory_space<semaphore_mem>>
        tpu.enqueue_dma source(%arg8 : memref<2048xf32, #tpu.memory_space<vmem_shared>>) target(%arg7 : memref<2048xf32, #tpu.memory_space<vmem>>) target_semaphore(%run_scoped3A : memref<!tpu.dma_semaphore, #tpu.memory_space<semaphore_mem>>)
        tpu.wait_dma2 semaphore(%run_scoped3A : memref<!tpu.dma_semaphore, #tpu.memory_space<semaphore_mem>>) src(%arg8 : memref<2048xf32, #tpu.memory_space<vmem_shared>>) dst(%arg7 : memref<2048xf32, #tpu.memory_space<vmem>>)
        tpu.yield
      }) : () -> ()
      %get3A = arith.constant 0 : index
      %get3A_193 = tpu.vector_load %arg7[%get3A] {strides = array<i32>} : memref<2048xf32, #tpu.memory_space<vmem>>, vector<16xf32>,
      %get3A_194 = arith.constant 16 : index
      %get3A_195 = tpu.vector_load %arg7[%get3A_194] {strides = array<i32>} : memref<2048xf32, #tpu.memory_space<vmem>>, vector<16xf32>,
      %get3A_196 = arith.constant 32 : index
      %get3A_197 = tpu.vector_load %arg7[%get3A_196] {strides = array<i32>} : memref<2048xf32, #tpu.memory_space<vmem>>, vector<16xf32>,
      %get3A_198 = arith.constant 48 : index
      %get3A_199 = tpu.vector_load %arg7[%get3A_198] {strides = array<i32>} : memref<2048xf32, #tpu.memory_space<vmem>>, vector<16xf32>,
      %get3A_200 = arith.constant 64 : index
      %get3A_201 = tpu.vector_load %arg7[%get3A_200] {strides = array<i32>} : memref<2048xf32, #tpu.memory_space<vmem>>, vector<16xf32>,
      %get3A_202 = arith.constant 80 : index
      %get3A_203 = tpu.vector_load %arg7[%get3A_202] {strides = array<i32>} : memref<2048xf32, #tpu.memory_space<vmem>>, vector<16xf32>,
      %get3A_204 = arith.constant 96 : index
      %get3A_205 = tpu.vector_load %arg7[%get3A_204] {strides = array<i32>} : memref<2048xf32, #tpu.memory_space<vmem>>, vector<16xf32>,
      %get3A_206 = arith.constant 112 : index
      %get3A_207 = tpu.vector_load %arg7[%get3A_206] {strides = array<i32>} : memref<2048xf32, #tpu.memory_space<vmem>>, vector<16xf32>,
      %scan3A_208 = arith.constant 1 : i32
      %scan3A_209 = arith.constant 15 : i32
      %scan3A_210 = arith.addi %scan3A_208, %scan3A_209 : i32
      %scan3A_211 = arith.constant 1 : i32
      %scan3A_212:8 = scf.for %scan3A_232 = %scan3A_208 to %scan3A_210 step %scan3A_211 iter_args(%scan3A_233 = %get3A_193, %scan3A_234 = %get3A_195, %scan3A_235 = %get3A_197, %scan3A_236 = %get3A_199, %scan3A_237 = %get3A_201, %scan3A_238 = %get3A_203, %scan3A_239 = %get3A_205, %scan3A_240 = %get3A_207) -> (vector<16xf32>, vector<16xf32>, vector<16xf32>, vector<16xf32>, vector<16xf32>, vector<16xf32>, vector<16xf32>, vector<16xf32>)  : i32 {
        %mul3A_241 = arith.constant 128 : i32
        %mul3A_242 = arith.muli %scan3A_232, %mul3A_241 : i32
        %add3A_243 = arith.constant 0 : i32
        %add3A_244 = arith.addi %mul3A_242, %add3A_243 : i32
        %get3A_245 = arith.index_cast %add3A_244 : i32 to index
        %get3A_246 = tpu.vector_load %arg7[%get3A_245] {strides = array<i32>} : memref<2048xf32, #tpu.memory_space<vmem>>, vector<16xf32>,
        %max3A = arith.maximumf %scan3A_233, %get3A_246 : vector<16xf32>
        %mul3A_247 = arith.constant 128 : i32
        %mul3A_248 = arith.muli %scan3A_232, %mul3A_247 : i32
        %add3A_249 = arith.constant 16 : i32
        %add3A_250 = arith.addi %mul3A_248, %add3A_249 : i32
        %get3A_251 = arith.index_cast %add3A_250 : i32 to index
        %get3A_252 = tpu.vector_load %arg7[%get3A_251] {strides = array<i32>} : memref<2048xf32, #tpu.memory_space<vmem>>, vector<16xf32>,
        %max3A_253 = arith.maximumf %scan3A_234, %get3A_252 : vector<16xf32>
        %mul3A_254 = arith.constant 128 : i32
        %mul3A_255 = arith.muli %scan3A_232, %mul3A_254 : i32
        %add3A_256 = arith.constant 32 : i32
        %add3A_257 = arith.addi %mul3A_255, %add3A_256 : i32
        %get3A_258 = arith.index_cast %add3A_257 : i32 to index
        %get3A_259 = tpu.vector_load %arg7[%get3A_258] {strides = array<i32>} : memref<2048xf32, #tpu.memory_space<vmem>>, vector<16xf32>,
        %max3A_260 = arith.maximumf %scan3A_235, %get3A_259 : vector<16xf32>
        %mul3A_261 = arith.constant 128 : i32
        %mul3A_262 = arith.muli %scan3A_232, %mul3A_261 : i32
        %add3A_263 = arith.constant 48 : i32
        %add3A_264 = arith.addi %mul3A_262, %add3A_263 : i32
        %get3A_265 = arith.index_cast %add3A_264 : i32 to index
        %get3A_266 = tpu.vector_load %arg7[%get3A_265] {strides = array<i32>} : memref<2048xf32, #tpu.memory_space<vmem>>, vector<16xf32>,
        %max3A_267 = arith.maximumf %scan3A_236, %get3A_266 : vector<16xf32>
        %mul3A_268 = arith.constant 128 : i32
        %mul3A_269 = arith.muli %scan3A_232, %mul3A_268 : i32
        %add3A_270 = arith.constant 64 : i32
        %add3A_271 = arith.addi %mul3A_269, %add3A_270 : i32
        %get3A_272 = arith.index_cast %add3A_271 : i32 to index
        %get3A_273 = tpu.vector_load %arg7[%get3A_272] {strides = array<i32>} : memref<2048xf32, #tpu.memory_space<vmem>>, vector<16xf32>,
        %max3A_274 = arith.maximumf %scan3A_237, %get3A_273 : vector<16xf32>
        %mul3A_275 = arith.constant 128 : i32
        %mul3A_276 = arith.muli %scan3A_232, %mul3A_275 : i32
        %add3A_277 = arith.constant 80 : i32
        %add3A_278 = arith.addi %mul3A_276, %add3A_277 : i32
        %get3A_279 = arith.index_cast %add3A_278 : i32 to index
        %get3A_280 = tpu.vector_load %arg7[%get3A_279] {strides = array<i32>} : memref<2048xf32, #tpu.memory_space<vmem>>, vector<16xf32>,
        %max3A_281 = arith.maximumf %scan3A_238, %get3A_280 : vector<16xf32>
        %mul3A_282 = arith.constant 128 : i32
        %mul3A_283 = arith.muli %scan3A_232, %mul3A_282 : i32
        %add3A_284 = arith.constant 96 : i32
        %add3A_285 = arith.addi %mul3A_283, %add3A_284 : i32
        %get3A_286 = arith.index_cast %add3A_285 : i32 to index
        %get3A_287 = tpu.vector_load %arg7[%get3A_286] {strides = array<i32>} : memref<2048xf32, #tpu.memory_space<vmem>>, vector<16xf32>,
        %max3A_288 = arith.maximumf %scan3A_239, %get3A_287 : vector<16xf32>
        %mul3A_289 = arith.constant 128 : i32
        %mul3A_290 = arith.muli %scan3A_232, %mul3A_289 : i32
        %add3A_291 = arith.constant 112 : i32
        %add3A_292 = arith.addi %mul3A_290, %add3A_291 : i32
        %get3A_293 = arith.index_cast %add3A_292 : i32 to index
        %get3A_294 = tpu.vector_load %arg7[%get3A_293] {strides = array<i32>} : memref<2048xf32, #tpu.memory_space<vmem>>, vector<16xf32>,
        %max3A_295 = arith.maximumf %scan3A_240, %get3A_294 : vector<16xf32>
        scf.yield %max3A, %max3A_253, %max3A_260, %max3A_267, %max3A_274, %max3A_281, %max3A_288, %max3A_295 : vector<16xf32>, vector<16xf32>, vector<16xf32>, vector<16xf32>, vector<16xf32>, vector<16xf32>, vector<16xf32>, vector<16xf32>
      }
      %scan3A_213 = arith.constant 15 : i32
      %swap3A_214 = arith.constant 0 : index
      %swap3A_215 = tpu.vector_load %arg6[%swap3A_214] {strides = array<i32>} : memref<128xf32, #tpu.memory_space<vmem>>, vector<16xf32>,
      tpu.vector_store %arg6[%swap3A_214], %scan3A_212#0 {strides = array<i32>} : memref<128xf32, #tpu.memory_space<vmem>>, vector<16xf32>,
      %swap3A_216 = arith.constant 16 : index
      %swap3A_217 = tpu.vector_load %arg6[%swap3A_216] {strides = array<i32>} : memref<128xf32, #tpu.memory_space<vmem>>, vector<16xf32>,
      tpu.vector_store %arg6[%swap3A_216], %scan3A_212#1 {strides = array<i32>} : memref<128xf32, #tpu.memory_space<vmem>>, vector<16xf32>,
      %swap3A_218 = arith.constant 32 : index
      %swap3A_219 = tpu.vector_load %arg6[%swap3A_218] {strides = array<i32>} : memref<128xf32, #tpu.memory_space<vmem>>, vector<16xf32>,
      tpu.vector_store %arg6[%swap3A_218], %scan3A_212#2 {strides = array<i32>} : memref<128xf32, #tpu.memory_space<vmem>>, vector<16xf32>,
      %swap3A_220 = arith.constant 48 : index
      %swap3A_221 = tpu.vector_load %arg6[%swap3A_220] {strides = array<i32>} : memref<128xf32, #tpu.memory_space<vmem>>, vector<16xf32>,
      tpu.vector_store %arg6[%swap3A_220], %scan3A_212#3 {strides = array<i32>} : memref<128xf32, #tpu.memory_space<vmem>>, vector<16xf32>,
      %swap3A_222 = arith.constant 64 : index
      %swap3A_223 = tpu.vector_load %arg6[%swap3A_222] {strides = array<i32>} : memref<128xf32, #tpu.memory_space<vmem>>, vector<16xf32>,
      tpu.vector_store %arg6[%swap3A_222], %scan3A_212#4 {strides = array<i32>} : memref<128xf32, #tpu.memory_space<vmem>>, vector<16xf32>,
      %swap3A_224 = arith.constant 80 : index
      %swap3A_225 = tpu.vector_load %arg6[%swap3A_224] {strides = array<i32>} : memref<128xf32, #tpu.memory_space<vmem>>, vector<16xf32>,
      tpu.vector_store %arg6[%swap3A_224], %scan3A_212#5 {strides = array<i32>} : memref<128xf32, #tpu.memory_space<vmem>>, vector<16xf32>,
      %swap3A_226 = arith.constant 96 : index
      %swap3A_227 = tpu.vector_load %arg6[%swap3A_226] {strides = array<i32>} : memref<128xf32, #tpu.memory_space<vmem>>, vector<16xf32>,
      tpu.vector_store %arg6[%swap3A_226], %scan3A_212#6 {strides = array<i32>} : memref<128xf32, #tpu.memory_space<vmem>>, vector<16xf32>,
      %swap3A_228 = arith.constant 112 : index
      %swap3A_229 = tpu.vector_load %arg6[%swap3A_228] {strides = array<i32>} : memref<128xf32, #tpu.memory_space<vmem>>, vector<16xf32>,
      tpu.vector_store %arg6[%swap3A_228], %scan3A_212#7 {strides = array<i32>} : memref<128xf32, #tpu.memory_space<vmem>>, vector<16xf32>,
      %mul3A_230 = arith.constant 128 : i32
      %mul3A_231 = arith.muli %arg0, %mul3A_230 : i32
      "tpu.region"() ({
        %run_scoped3A = tpu.sem_alloc : memref<!tpu.dma_semaphore, #tpu.memory_space<semaphore_mem>>
        %dma_start3A_232 = tpu.memref_slice %arg3[%mul3A_231] : memref<128xf32, #tpu.memory_space<hbm>> -> memref<128xf32, #tpu.memory_space<hbm>>
        %dma_start3A_233 = tpu.memref_slice %arg3[%mul3A_231] : memref<128xf32, #tpu.memory_space<hbm>> -> memref<128xf32, #tpu.memory_space<hbm>>
        tpu.enqueue_dma source(%arg6 : memref<128xf32, #tpu.memory_space<vmem>>) target(%dma_start3A_233 : memref<128xf32, #tpu.memory_space<hbm>>) target_semaphore(%run_scoped3A : memref<!tpu.dma_semaphore, #tpu.memory_space<semaphore_mem>>)
        %dma_wait3A_234 = tpu.memref_slice %arg3[%mul3A_231] : memref<128xf32, #tpu.memory_space<hbm>> -> memref<128xf32, #tpu.memory_space<hbm>>
        %dma_wait3A_235 = tpu.memref_slice %arg3[%mul3A_231] : memref<128xf32, #tpu.memory_space<hbm>> -> memref<128xf32, #tpu.memory_space<hbm>>
        tpu.wait_dma2 semaphore(%run_scoped3A : memref<!tpu.dma_semaphore, #tpu.memory_space<semaphore_mem>>) src(%arg6 : memref<128xf32, #tpu.memory_space<vmem>>) dst(%dma_wait3A_235 : memref<128xf32, #tpu.memory_space<hbm>>)
        tpu.yield
      }) : () -> ()
    } else {
    }
    return
  }
}

module attributes {stable_mosaic.version = 14 : i64} {
  func.func @_tc_body(%arg0: memref<100000x128xf32, #tpu.memory_space<any>>, %arg1: memref<1x128xf32, #tpu.memory_space<vmem>>, %arg2: memref<3800x128xf32, #tpu.memory_space<vmem>>, %arg3: memref<3800x128xf32, #tpu.memory_space<vmem>>, %arg4: memref<3800x128xf32, #tpu.memory_space<vmem>>, %arg5: memref<3800x128xf32, #tpu.memory_space<vmem>>, %arg6: memref<3800x128xf32, #tpu.memory_space<vmem>>, %arg7: memref<3800x128xf32, #tpu.memory_space<vmem>>, %arg8: memref<!tpu.dma_semaphore, #tpu.memory_space<semaphore_mem>>, %arg9: memref<!tpu.dma_semaphore, #tpu.memory_space<semaphore_mem>>, %arg10: memref<!tpu.dma_semaphore, #tpu.memory_space<semaphore_mem>>, %arg11: memref<!tpu.dma_semaphore, #tpu.memory_space<semaphore_mem>>, %arg12: memref<!tpu.dma_semaphore, #tpu.memory_space<semaphore_mem>>, %arg13: memref<!tpu.dma_semaphore, #tpu.memory_space<semaphore_mem>>) attributes {dimension_semantics = [], scalar_prefetch = 0 : i64, scratch_operands = 12 : i64, tpu.core_type = #tpu.core_type<tc>} {
    %dma_start3A = arith.constant 0 : i32
    %dma_start3A_0 = arith.constant 0 : i32
    %dma_start3A_1 = tpu.memref_slice %arg0[%dma_start3A, %dma_start3A_0] : memref<100000x128xf32, #tpu.memory_space<any>> -> memref<3800x128xf32, #tpu.memory_space<any>>
    tpu.enqueue_dma source(%dma_start3A_1 : memref<3800x128xf32, #tpu.memory_space<any>>) target(%arg2 : memref<3800x128xf32, #tpu.memory_space<vmem>>) target_semaphore(%arg8 : memref<!tpu.dma_semaphore, #tpu.memory_space<semaphore_mem>>)
    %dma_start3A_2 = arith.constant 3800 : i32
    %dma_start3A_3 = arith.constant 0 : i32
    %dma_start3A_4 = tpu.memref_slice %arg0[%dma_start3A_2, %dma_start3A_3] : memref<100000x128xf32, #tpu.memory_space<any>> -> memref<3800x128xf32, #tpu.memory_space<any>>
    tpu.enqueue_dma source(%dma_start3A_4 : memref<3800x128xf32, #tpu.memory_space<any>>) target(%arg3 : memref<3800x128xf32, #tpu.memory_space<vmem>>) target_semaphore(%arg9 : memref<!tpu.dma_semaphore, #tpu.memory_space<semaphore_mem>>)
    %dma_start3A_5 = arith.constant 7600 : i32
    %dma_start3A_6 = arith.constant 0 : i32
    %dma_start3A_7 = tpu.memref_slice %arg0[%dma_start3A_5, %dma_start3A_6] : memref<100000x128xf32, #tpu.memory_space<any>> -> memref<3800x128xf32, #tpu.memory_space<any>>
    tpu.enqueue_dma source(%dma_start3A_7 : memref<3800x128xf32, #tpu.memory_space<any>>) target(%arg4 : memref<3800x128xf32, #tpu.memory_space<vmem>>) target_semaphore(%arg10 : memref<!tpu.dma_semaphore, #tpu.memory_space<semaphore_mem>>)
    %dma_start3A_8 = arith.constant 11400 : i32
    %dma_start3A_9 = arith.constant 0 : i32
    %dma_start3A_10 = tpu.memref_slice %arg0[%dma_start3A_8, %dma_start3A_9] : memref<100000x128xf32, #tpu.memory_space<any>> -> memref<3800x128xf32, #tpu.memory_space<any>>
    tpu.enqueue_dma source(%dma_start3A_10 : memref<3800x128xf32, #tpu.memory_space<any>>) target(%arg5 : memref<3800x128xf32, #tpu.memory_space<vmem>>) target_semaphore(%arg11 : memref<!tpu.dma_semaphore, #tpu.memory_space<semaphore_mem>>)
    %dma_start3A_11 = arith.constant 15200 : i32
    %dma_start3A_12 = arith.constant 0 : i32
    %dma_start3A_13 = tpu.memref_slice %arg0[%dma_start3A_11, %dma_start3A_12] : memref<100000x128xf32, #tpu.memory_space<any>> -> memref<3800x128xf32, #tpu.memory_space<any>>
    tpu.enqueue_dma source(%dma_start3A_13 : memref<3800x128xf32, #tpu.memory_space<any>>) target(%arg6 : memref<3800x128xf32, #tpu.memory_space<vmem>>) target_semaphore(%arg12 : memref<!tpu.dma_semaphore, #tpu.memory_space<semaphore_mem>>)
    %dma_start3A_14 = arith.constant 19000 : i32
    %dma_start3A_15 = arith.constant 0 : i32
    %dma_start3A_16 = tpu.memref_slice %arg0[%dma_start3A_14, %dma_start3A_15] : memref<100000x128xf32, #tpu.memory_space<any>> -> memref<3800x128xf32, #tpu.memory_space<any>>
    tpu.enqueue_dma source(%dma_start3A_16 : memref<3800x128xf32, #tpu.memory_space<any>>) target(%arg7 : memref<3800x128xf32, #tpu.memory_space<vmem>>) target_semaphore(%arg13 : memref<!tpu.dma_semaphore, #tpu.memory_space<semaphore_mem>>)
    %broadcast_in_dim3A = arith.constant -3.400000e+38 : f32
    %broadcast_in_dim3A_17 = vector.broadcast %broadcast_in_dim3A : f32 to vector<128xf32>
    %dma_wait3A = arith.constant 0 : i32
    %dma_wait3A_18 = arith.constant 0 : i32
    %dma_wait3A_19 = tpu.memref_slice %arg0[%dma_wait3A, %dma_wait3A_18] : memref<100000x128xf32, #tpu.memory_space<any>> -> memref<3800x128xf32, #tpu.memory_space<any>>
    tpu.wait_dma2 semaphore(%arg8 : memref<!tpu.dma_semaphore, #tpu.memory_space<semaphore_mem>>) src(%dma_wait3A_19 : memref<3800x128xf32, #tpu.memory_space<any>>) dst(%arg2 : memref<3800x128xf32, #tpu.memory_space<vmem>>)
    %get3A = arith.constant 0 : index
    %get3A_20 = arith.constant 0 : index
    %get3A_21 = vector.load %arg2[%get3A, %get3A_20] : memref<3800x128xf32, #tpu.memory_space<vmem>>, vector<3800x128xf32>
    %reduce_max3A = arith.constant dense<0xFF800000> : vector<128xf32>
    %reduce_max3A_22 = vector.multi_reduction <maximumf>, %get3A_21, %reduce_max3A [0] : vector<3800x128xf32> to vector<128xf32>
    %max3A = arith.maximumf %broadcast_in_dim3A_17, %reduce_max3A_22 : vector<128xf32>
    %dma_start3A_23 = arith.constant 22800 : i32
    %dma_start3A_24 = arith.constant 0 : i32
    %dma_start3A_25 = tpu.memref_slice %arg0[%dma_start3A_23, %dma_start3A_24] : memref<100000x128xf32, #tpu.memory_space<any>> -> memref<3800x128xf32, #tpu.memory_space<any>>
    tpu.enqueue_dma source(%dma_start3A_25 : memref<3800x128xf32, #tpu.memory_space<any>>) target(%arg2 : memref<3800x128xf32, #tpu.memory_space<vmem>>) target_semaphore(%arg8 : memref<!tpu.dma_semaphore, #tpu.memory_space<semaphore_mem>>)
    %dma_wait3A_26 = arith.constant 3800 : i32
    %dma_wait3A_27 = arith.constant 0 : i32
    %dma_wait3A_28 = tpu.memref_slice %arg0[%dma_wait3A_26, %dma_wait3A_27] : memref<100000x128xf32, #tpu.memory_space<any>> -> memref<3800x128xf32, #tpu.memory_space<any>>
    tpu.wait_dma2 semaphore(%arg9 : memref<!tpu.dma_semaphore, #tpu.memory_space<semaphore_mem>>) src(%dma_wait3A_28 : memref<3800x128xf32, #tpu.memory_space<any>>) dst(%arg3 : memref<3800x128xf32, #tpu.memory_space<vmem>>)
    %get3A_29 = arith.constant 0 : index
    %get3A_30 = arith.constant 0 : index
    %get3A_31 = vector.load %arg3[%get3A_29, %get3A_30] : memref<3800x128xf32, #tpu.memory_space<vmem>>, vector<3800x128xf32>
    %reduce_max3A_32 = arith.constant dense<0xFF800000> : vector<128xf32>
    %reduce_max3A_33 = vector.multi_reduction <maximumf>, %get3A_31, %reduce_max3A_32 [0] : vector<3800x128xf32> to vector<128xf32>
    %max3A_34 = arith.maximumf %max3A, %reduce_max3A_33 : vector<128xf32>
    %dma_start3A_35 = arith.constant 26600 : i32
    %dma_start3A_36 = arith.constant 0 : i32
    %dma_start3A_37 = tpu.memref_slice %arg0[%dma_start3A_35, %dma_start3A_36] : memref<100000x128xf32, #tpu.memory_space<any>> -> memref<3800x128xf32, #tpu.memory_space<any>>
    tpu.enqueue_dma source(%dma_start3A_37 : memref<3800x128xf32, #tpu.memory_space<any>>) target(%arg3 : memref<3800x128xf32, #tpu.memory_space<vmem>>) target_semaphore(%arg9 : memref<!tpu.dma_semaphore, #tpu.memory_space<semaphore_mem>>)
    %dma_wait3A_38 = arith.constant 7600 : i32
    %dma_wait3A_39 = arith.constant 0 : i32
    %dma_wait3A_40 = tpu.memref_slice %arg0[%dma_wait3A_38, %dma_wait3A_39] : memref<100000x128xf32, #tpu.memory_space<any>> -> memref<3800x128xf32, #tpu.memory_space<any>>
    tpu.wait_dma2 semaphore(%arg10 : memref<!tpu.dma_semaphore, #tpu.memory_space<semaphore_mem>>) src(%dma_wait3A_40 : memref<3800x128xf32, #tpu.memory_space<any>>) dst(%arg4 : memref<3800x128xf32, #tpu.memory_space<vmem>>)
    %get3A_41 = arith.constant 0 : index
    %get3A_42 = arith.constant 0 : index
    %get3A_43 = vector.load %arg4[%get3A_41, %get3A_42] : memref<3800x128xf32, #tpu.memory_space<vmem>>, vector<3800x128xf32>
    %reduce_max3A_44 = arith.constant dense<0xFF800000> : vector<128xf32>
    %reduce_max3A_45 = vector.multi_reduction <maximumf>, %get3A_43, %reduce_max3A_44 [0] : vector<3800x128xf32> to vector<128xf32>
    %max3A_46 = arith.maximumf %max3A_34, %reduce_max3A_45 : vector<128xf32>
    %dma_start3A_47 = arith.constant 30400 : i32
    %dma_start3A_48 = arith.constant 0 : i32
    %dma_start3A_49 = tpu.memref_slice %arg0[%dma_start3A_47, %dma_start3A_48] : memref<100000x128xf32, #tpu.memory_space<any>> -> memref<3800x128xf32, #tpu.memory_space<any>>
    tpu.enqueue_dma source(%dma_start3A_49 : memref<3800x128xf32, #tpu.memory_space<any>>) target(%arg4 : memref<3800x128xf32, #tpu.memory_space<vmem>>) target_semaphore(%arg10 : memref<!tpu.dma_semaphore, #tpu.memory_space<semaphore_mem>>)
    %dma_wait3A_50 = arith.constant 11400 : i32
    %dma_wait3A_51 = arith.constant 0 : i32
    %dma_wait3A_52 = tpu.memref_slice %arg0[%dma_wait3A_50, %dma_wait3A_51] : memref<100000x128xf32, #tpu.memory_space<any>> -> memref<3800x128xf32, #tpu.memory_space<any>>
    tpu.wait_dma2 semaphore(%arg11 : memref<!tpu.dma_semaphore, #tpu.memory_space<semaphore_mem>>) src(%dma_wait3A_52 : memref<3800x128xf32, #tpu.memory_space<any>>) dst(%arg5 : memref<3800x128xf32, #tpu.memory_space<vmem>>)
    %get3A_53 = arith.constant 0 : index
    %get3A_54 = arith.constant 0 : index
    %get3A_55 = vector.load %arg5[%get3A_53, %get3A_54] : memref<3800x128xf32, #tpu.memory_space<vmem>>, vector<3800x128xf32>
    %reduce_max3A_56 = arith.constant dense<0xFF800000> : vector<128xf32>
    %reduce_max3A_57 = vector.multi_reduction <maximumf>, %get3A_55, %reduce_max3A_56 [0] : vector<3800x128xf32> to vector<128xf32>
    %max3A_58 = arith.maximumf %max3A_46, %reduce_max3A_57 : vector<128xf32>
    %dma_start3A_59 = arith.constant 34200 : i32
    %dma_start3A_60 = arith.constant 0 : i32
    %dma_start3A_61 = tpu.memref_slice %arg0[%dma_start3A_59, %dma_start3A_60] : memref<100000x128xf32, #tpu.memory_space<any>> -> memref<3800x128xf32, #tpu.memory_space<any>>
    tpu.enqueue_dma source(%dma_start3A_61 : memref<3800x128xf32, #tpu.memory_space<any>>) target(%arg5 : memref<3800x128xf32, #tpu.memory_space<vmem>>) target_semaphore(%arg11 : memref<!tpu.dma_semaphore, #tpu.memory_space<semaphore_mem>>)
    %dma_wait3A_62 = arith.constant 15200 : i32
    %dma_wait3A_63 = arith.constant 0 : i32
    %dma_wait3A_64 = tpu.memref_slice %arg0[%dma_wait3A_62, %dma_wait3A_63] : memref<100000x128xf32, #tpu.memory_space<any>> -> memref<3800x128xf32, #tpu.memory_space<any>>
    tpu.wait_dma2 semaphore(%arg12 : memref<!tpu.dma_semaphore, #tpu.memory_space<semaphore_mem>>) src(%dma_wait3A_64 : memref<3800x128xf32, #tpu.memory_space<any>>) dst(%arg6 : memref<3800x128xf32, #tpu.memory_space<vmem>>)
    %get3A_65 = arith.constant 0 : index
    %get3A_66 = arith.constant 0 : index
    %get3A_67 = vector.load %arg6[%get3A_65, %get3A_66] : memref<3800x128xf32, #tpu.memory_space<vmem>>, vector<3800x128xf32>
    %reduce_max3A_68 = arith.constant dense<0xFF800000> : vector<128xf32>
    %reduce_max3A_69 = vector.multi_reduction <maximumf>, %get3A_67, %reduce_max3A_68 [0] : vector<3800x128xf32> to vector<128xf32>
    %max3A_70 = arith.maximumf %max3A_58, %reduce_max3A_69 : vector<128xf32>
    %dma_start3A_71 = arith.constant 38000 : i32
    %dma_start3A_72 = arith.constant 0 : i32
    %dma_start3A_73 = tpu.memref_slice %arg0[%dma_start3A_71, %dma_start3A_72] : memref<100000x128xf32, #tpu.memory_space<any>> -> memref<3800x128xf32, #tpu.memory_space<any>>
    tpu.enqueue_dma source(%dma_start3A_73 : memref<3800x128xf32, #tpu.memory_space<any>>) target(%arg6 : memref<3800x128xf32, #tpu.memory_space<vmem>>) target_semaphore(%arg12 : memref<!tpu.dma_semaphore, #tpu.memory_space<semaphore_mem>>)
    %dma_wait3A_74 = arith.constant 19000 : i32
    %dma_wait3A_75 = arith.constant 0 : i32
    %dma_wait3A_76 = tpu.memref_slice %arg0[%dma_wait3A_74, %dma_wait3A_75] : memref<100000x128xf32, #tpu.memory_space<any>> -> memref<3800x128xf32, #tpu.memory_space<any>>
    tpu.wait_dma2 semaphore(%arg13 : memref<!tpu.dma_semaphore, #tpu.memory_space<semaphore_mem>>) src(%dma_wait3A_76 : memref<3800x128xf32, #tpu.memory_space<any>>) dst(%arg7 : memref<3800x128xf32, #tpu.memory_space<vmem>>)
    %get3A_77 = arith.constant 0 : index
    %get3A_78 = arith.constant 0 : index
    %get3A_79 = vector.load %arg7[%get3A_77, %get3A_78] : memref<3800x128xf32, #tpu.memory_space<vmem>>, vector<3800x128xf32>
    %reduce_max3A_80 = arith.constant dense<0xFF800000> : vector<128xf32>
    %reduce_max3A_81 = vector.multi_reduction <maximumf>, %get3A_79, %reduce_max3A_80 [0] : vector<3800x128xf32> to vector<128xf32>
    %max3A_82 = arith.maximumf %max3A_70, %reduce_max3A_81 : vector<128xf32>
    %dma_start3A_83 = arith.constant 41800 : i32
    %dma_start3A_84 = arith.constant 0 : i32
    %dma_start3A_85 = tpu.memref_slice %arg0[%dma_start3A_83, %dma_start3A_84] : memref<100000x128xf32, #tpu.memory_space<any>> -> memref<3800x128xf32, #tpu.memory_space<any>>
    tpu.enqueue_dma source(%dma_start3A_85 : memref<3800x128xf32, #tpu.memory_space<any>>) target(%arg7 : memref<3800x128xf32, #tpu.memory_space<vmem>>) target_semaphore(%arg13 : memref<!tpu.dma_semaphore, #tpu.memory_space<semaphore_mem>>)
    %dma_wait3A_86 = arith.constant 22800 : i32
    %dma_wait3A_87 = arith.constant 0 : i32
    %dma_wait3A_88 = tpu.memref_slice %arg0[%dma_wait3A_86, %dma_wait3A_87] : memref<100000x128xf32, #tpu.memory_space<any>> -> memref<3800x128xf32, #tpu.memory_space<any>>
    tpu.wait_dma2 semaphore(%arg8 : memref<!tpu.dma_semaphore, #tpu.memory_space<semaphore_mem>>) src(%dma_wait3A_88 : memref<3800x128xf32, #tpu.memory_space<any>>) dst(%arg2 : memref<3800x128xf32, #tpu.memory_space<vmem>>)
    %get3A_89 = arith.constant 0 : index
    %get3A_90 = arith.constant 0 : index
    %get3A_91 = vector.load %arg2[%get3A_89, %get3A_90] : memref<3800x128xf32, #tpu.memory_space<vmem>>, vector<3800x128xf32>
    %reduce_max3A_92 = arith.constant dense<0xFF800000> : vector<128xf32>
    %reduce_max3A_93 = vector.multi_reduction <maximumf>, %get3A_91, %reduce_max3A_92 [0] : vector<3800x128xf32> to vector<128xf32>
    %max3A_94 = arith.maximumf %max3A_82, %reduce_max3A_93 : vector<128xf32>
    %dma_start3A_95 = arith.constant 45600 : i32
    %dma_start3A_96 = arith.constant 0 : i32
    %dma_start3A_97 = tpu.memref_slice %arg0[%dma_start3A_95, %dma_start3A_96] : memref<100000x128xf32, #tpu.memory_space<any>> -> memref<3800x128xf32, #tpu.memory_space<any>>
    tpu.enqueue_dma source(%dma_start3A_97 : memref<3800x128xf32, #tpu.memory_space<any>>) target(%arg2 : memref<3800x128xf32, #tpu.memory_space<vmem>>) target_semaphore(%arg8 : memref<!tpu.dma_semaphore, #tpu.memory_space<semaphore_mem>>)
    %dma_wait3A_98 = arith.constant 26600 : i32
    %dma_wait3A_99 = arith.constant 0 : i32
    %dma_wait3A_100 = tpu.memref_slice %arg0[%dma_wait3A_98, %dma_wait3A_99] : memref<100000x128xf32, #tpu.memory_space<any>> -> memref<3800x128xf32, #tpu.memory_space<any>>
    tpu.wait_dma2 semaphore(%arg9 : memref<!tpu.dma_semaphore, #tpu.memory_space<semaphore_mem>>) src(%dma_wait3A_100 : memref<3800x128xf32, #tpu.memory_space<any>>) dst(%arg3 : memref<3800x128xf32, #tpu.memory_space<vmem>>)
    %get3A_101 = arith.constant 0 : index
    %get3A_102 = arith.constant 0 : index
    %get3A_103 = vector.load %arg3[%get3A_101, %get3A_102] : memref<3800x128xf32, #tpu.memory_space<vmem>>, vector<3800x128xf32>
    %reduce_max3A_104 = arith.constant dense<0xFF800000> : vector<128xf32>
    %reduce_max3A_105 = vector.multi_reduction <maximumf>, %get3A_103, %reduce_max3A_104 [0] : vector<3800x128xf32> to vector<128xf32>
    %max3A_106 = arith.maximumf %max3A_94, %reduce_max3A_105 : vector<128xf32>
    %dma_start3A_107 = arith.constant 49400 : i32
    %dma_start3A_108 = arith.constant 0 : i32
    %dma_start3A_109 = tpu.memref_slice %arg0[%dma_start3A_107, %dma_start3A_108] : memref<100000x128xf32, #tpu.memory_space<any>> -> memref<3800x128xf32, #tpu.memory_space<any>>
    tpu.enqueue_dma source(%dma_start3A_109 : memref<3800x128xf32, #tpu.memory_space<any>>) target(%arg3 : memref<3800x128xf32, #tpu.memory_space<vmem>>) target_semaphore(%arg9 : memref<!tpu.dma_semaphore, #tpu.memory_space<semaphore_mem>>)
    %dma_wait3A_110 = arith.constant 30400 : i32
    %dma_wait3A_111 = arith.constant 0 : i32
    %dma_wait3A_112 = tpu.memref_slice %arg0[%dma_wait3A_110, %dma_wait3A_111] : memref<100000x128xf32, #tpu.memory_space<any>> -> memref<3800x128xf32, #tpu.memory_space<any>>
    tpu.wait_dma2 semaphore(%arg10 : memref<!tpu.dma_semaphore, #tpu.memory_space<semaphore_mem>>) src(%dma_wait3A_112 : memref<3800x128xf32, #tpu.memory_space<any>>) dst(%arg4 : memref<3800x128xf32, #tpu.memory_space<vmem>>)
    %get3A_113 = arith.constant 0 : index
    %get3A_114 = arith.constant 0 : index
    %get3A_115 = vector.load %arg4[%get3A_113, %get3A_114] : memref<3800x128xf32, #tpu.memory_space<vmem>>, vector<3800x128xf32>
    %reduce_max3A_116 = arith.constant dense<0xFF800000> : vector<128xf32>
    %reduce_max3A_117 = vector.multi_reduction <maximumf>, %get3A_115, %reduce_max3A_116 [0] : vector<3800x128xf32> to vector<128xf32>
    %max3A_118 = arith.maximumf %max3A_106, %reduce_max3A_117 : vector<128xf32>
    %dma_start3A_119 = arith.constant 53200 : i32
    %dma_start3A_120 = arith.constant 0 : i32
    %dma_start3A_121 = tpu.memref_slice %arg0[%dma_start3A_119, %dma_start3A_120] : memref<100000x128xf32, #tpu.memory_space<any>> -> memref<3800x128xf32, #tpu.memory_space<any>>
    tpu.enqueue_dma source(%dma_start3A_121 : memref<3800x128xf32, #tpu.memory_space<any>>) target(%arg4 : memref<3800x128xf32, #tpu.memory_space<vmem>>) target_semaphore(%arg10 : memref<!tpu.dma_semaphore, #tpu.memory_space<semaphore_mem>>)
    %dma_wait3A_122 = arith.constant 34200 : i32
    %dma_wait3A_123 = arith.constant 0 : i32
    %dma_wait3A_124 = tpu.memref_slice %arg0[%dma_wait3A_122, %dma_wait3A_123] : memref<100000x128xf32, #tpu.memory_space<any>> -> memref<3800x128xf32, #tpu.memory_space<any>>
    tpu.wait_dma2 semaphore(%arg11 : memref<!tpu.dma_semaphore, #tpu.memory_space<semaphore_mem>>) src(%dma_wait3A_124 : memref<3800x128xf32, #tpu.memory_space<any>>) dst(%arg5 : memref<3800x128xf32, #tpu.memory_space<vmem>>)
    %get3A_125 = arith.constant 0 : index
    %get3A_126 = arith.constant 0 : index
    %get3A_127 = vector.load %arg5[%get3A_125, %get3A_126] : memref<3800x128xf32, #tpu.memory_space<vmem>>, vector<3800x128xf32>
    %reduce_max3A_128 = arith.constant dense<0xFF800000> : vector<128xf32>
    %reduce_max3A_129 = vector.multi_reduction <maximumf>, %get3A_127, %reduce_max3A_128 [0] : vector<3800x128xf32> to vector<128xf32>
    %max3A_130 = arith.maximumf %max3A_118, %reduce_max3A_129 : vector<128xf32>
    %dma_start3A_131 = arith.constant 57000 : i32
    %dma_start3A_132 = arith.constant 0 : i32
    %dma_start3A_133 = tpu.memref_slice %arg0[%dma_start3A_131, %dma_start3A_132] : memref<100000x128xf32, #tpu.memory_space<any>> -> memref<3800x128xf32, #tpu.memory_space<any>>
    tpu.enqueue_dma source(%dma_start3A_133 : memref<3800x128xf32, #tpu.memory_space<any>>) target(%arg5 : memref<3800x128xf32, #tpu.memory_space<vmem>>) target_semaphore(%arg11 : memref<!tpu.dma_semaphore, #tpu.memory_space<semaphore_mem>>)
    %dma_wait3A_134 = arith.constant 38000 : i32
    %dma_wait3A_135 = arith.constant 0 : i32
    %dma_wait3A_136 = tpu.memref_slice %arg0[%dma_wait3A_134, %dma_wait3A_135] : memref<100000x128xf32, #tpu.memory_space<any>> -> memref<3800x128xf32, #tpu.memory_space<any>>
    tpu.wait_dma2 semaphore(%arg12 : memref<!tpu.dma_semaphore, #tpu.memory_space<semaphore_mem>>) src(%dma_wait3A_136 : memref<3800x128xf32, #tpu.memory_space<any>>) dst(%arg6 : memref<3800x128xf32, #tpu.memory_space<vmem>>)
    %get3A_137 = arith.constant 0 : index
    %get3A_138 = arith.constant 0 : index
    %get3A_139 = vector.load %arg6[%get3A_137, %get3A_138] : memref<3800x128xf32, #tpu.memory_space<vmem>>, vector<3800x128xf32>
    %reduce_max3A_140 = arith.constant dense<0xFF800000> : vector<128xf32>
    %reduce_max3A_141 = vector.multi_reduction <maximumf>, %get3A_139, %reduce_max3A_140 [0] : vector<3800x128xf32> to vector<128xf32>
    %max3A_142 = arith.maximumf %max3A_130, %reduce_max3A_141 : vector<128xf32>
    %dma_start3A_143 = arith.constant 60800 : i32
    %dma_start3A_144 = arith.constant 0 : i32
    %dma_start3A_145 = tpu.memref_slice %arg0[%dma_start3A_143, %dma_start3A_144] : memref<100000x128xf32, #tpu.memory_space<any>> -> memref<3800x128xf32, #tpu.memory_space<any>>
    tpu.enqueue_dma source(%dma_start3A_145 : memref<3800x128xf32, #tpu.memory_space<any>>) target(%arg6 : memref<3800x128xf32, #tpu.memory_space<vmem>>) target_semaphore(%arg12 : memref<!tpu.dma_semaphore, #tpu.memory_space<semaphore_mem>>)
    %dma_wait3A_146 = arith.constant 41800 : i32
    %dma_wait3A_147 = arith.constant 0 : i32
    %dma_wait3A_148 = tpu.memref_slice %arg0[%dma_wait3A_146, %dma_wait3A_147] : memref<100000x128xf32, #tpu.memory_space<any>> -> memref<3800x128xf32, #tpu.memory_space<any>>
    tpu.wait_dma2 semaphore(%arg13 : memref<!tpu.dma_semaphore, #tpu.memory_space<semaphore_mem>>) src(%dma_wait3A_148 : memref<3800x128xf32, #tpu.memory_space<any>>) dst(%arg7 : memref<3800x128xf32, #tpu.memory_space<vmem>>)
    %get3A_149 = arith.constant 0 : index
    %get3A_150 = arith.constant 0 : index
    %get3A_151 = vector.load %arg7[%get3A_149, %get3A_150] : memref<3800x128xf32, #tpu.memory_space<vmem>>, vector<3800x128xf32>
    %reduce_max3A_152 = arith.constant dense<0xFF800000> : vector<128xf32>
    %reduce_max3A_153 = vector.multi_reduction <maximumf>, %get3A_151, %reduce_max3A_152 [0] : vector<3800x128xf32> to vector<128xf32>
    %max3A_154 = arith.maximumf %max3A_142, %reduce_max3A_153 : vector<128xf32>
    %dma_start3A_155 = arith.constant 64600 : i32
    %dma_start3A_156 = arith.constant 0 : i32
    %dma_start3A_157 = tpu.memref_slice %arg0[%dma_start3A_155, %dma_start3A_156] : memref<100000x128xf32, #tpu.memory_space<any>> -> memref<3800x128xf32, #tpu.memory_space<any>>
    tpu.enqueue_dma source(%dma_start3A_157 : memref<3800x128xf32, #tpu.memory_space<any>>) target(%arg7 : memref<3800x128xf32, #tpu.memory_space<vmem>>) target_semaphore(%arg13 : memref<!tpu.dma_semaphore, #tpu.memory_space<semaphore_mem>>)
    %dma_wait3A_158 = arith.constant 45600 : i32
    %dma_wait3A_159 = arith.constant 0 : i32
    %dma_wait3A_160 = tpu.memref_slice %arg0[%dma_wait3A_158, %dma_wait3A_159] : memref<100000x128xf32, #tpu.memory_space<any>> -> memref<3800x128xf32, #tpu.memory_space<any>>
    tpu.wait_dma2 semaphore(%arg8 : memref<!tpu.dma_semaphore, #tpu.memory_space<semaphore_mem>>) src(%dma_wait3A_160 : memref<3800x128xf32, #tpu.memory_space<any>>) dst(%arg2 : memref<3800x128xf32, #tpu.memory_space<vmem>>)
    %get3A_161 = arith.constant 0 : index
    %get3A_162 = arith.constant 0 : index
    %get3A_163 = vector.load %arg2[%get3A_161, %get3A_162] : memref<3800x128xf32, #tpu.memory_space<vmem>>, vector<3800x128xf32>
    %reduce_max3A_164 = arith.constant dense<0xFF800000> : vector<128xf32>
    %reduce_max3A_165 = vector.multi_reduction <maximumf>, %get3A_163, %reduce_max3A_164 [0] : vector<3800x128xf32> to vector<128xf32>
    %max3A_166 = arith.maximumf %max3A_154, %reduce_max3A_165 : vector<128xf32>
    %dma_start3A_167 = arith.constant 68400 : i32
    %dma_start3A_168 = arith.constant 0 : i32
    %dma_start3A_169 = tpu.memref_slice %arg0[%dma_start3A_167, %dma_start3A_168] : memref<100000x128xf32, #tpu.memory_space<any>> -> memref<3800x128xf32, #tpu.memory_space<any>>
    tpu.enqueue_dma source(%dma_start3A_169 : memref<3800x128xf32, #tpu.memory_space<any>>) target(%arg2 : memref<3800x128xf32, #tpu.memory_space<vmem>>) target_semaphore(%arg8 : memref<!tpu.dma_semaphore, #tpu.memory_space<semaphore_mem>>)
    %dma_wait3A_170 = arith.constant 49400 : i32
    %dma_wait3A_171 = arith.constant 0 : i32
    %dma_wait3A_172 = tpu.memref_slice %arg0[%dma_wait3A_170, %dma_wait3A_171] : memref<100000x128xf32, #tpu.memory_space<any>> -> memref<3800x128xf32, #tpu.memory_space<any>>
    tpu.wait_dma2 semaphore(%arg9 : memref<!tpu.dma_semaphore, #tpu.memory_space<semaphore_mem>>) src(%dma_wait3A_172 : memref<3800x128xf32, #tpu.memory_space<any>>) dst(%arg3 : memref<3800x128xf32, #tpu.memory_space<vmem>>)
    %get3A_173 = arith.constant 0 : index
    %get3A_174 = arith.constant 0 : index
    %get3A_175 = vector.load %arg3[%get3A_173, %get3A_174] : memref<3800x128xf32, #tpu.memory_space<vmem>>, vector<3800x128xf32>
    %reduce_max3A_176 = arith.constant dense<0xFF800000> : vector<128xf32>
    %reduce_max3A_177 = vector.multi_reduction <maximumf>, %get3A_175, %reduce_max3A_176 [0] : vector<3800x128xf32> to vector<128xf32>
    %max3A_178 = arith.maximumf %max3A_166, %reduce_max3A_177 : vector<128xf32>
    %dma_start3A_179 = arith.constant 72200 : i32
    %dma_start3A_180 = arith.constant 0 : i32
    %dma_start3A_181 = tpu.memref_slice %arg0[%dma_start3A_179, %dma_start3A_180] : memref<100000x128xf32, #tpu.memory_space<any>> -> memref<3800x128xf32, #tpu.memory_space<any>>
    tpu.enqueue_dma source(%dma_start3A_181 : memref<3800x128xf32, #tpu.memory_space<any>>) target(%arg3 : memref<3800x128xf32, #tpu.memory_space<vmem>>) target_semaphore(%arg9 : memref<!tpu.dma_semaphore, #tpu.memory_space<semaphore_mem>>)
    %dma_wait3A_182 = arith.constant 53200 : i32
    %dma_wait3A_183 = arith.constant 0 : i32
    %dma_wait3A_184 = tpu.memref_slice %arg0[%dma_wait3A_182, %dma_wait3A_183] : memref<100000x128xf32, #tpu.memory_space<any>> -> memref<3800x128xf32, #tpu.memory_space<any>>
    tpu.wait_dma2 semaphore(%arg10 : memref<!tpu.dma_semaphore, #tpu.memory_space<semaphore_mem>>) src(%dma_wait3A_184 : memref<3800x128xf32, #tpu.memory_space<any>>) dst(%arg4 : memref<3800x128xf32, #tpu.memory_space<vmem>>)
    %get3A_185 = arith.constant 0 : index
    %get3A_186 = arith.constant 0 : index
    %get3A_187 = vector.load %arg4[%get3A_185, %get3A_186] : memref<3800x128xf32, #tpu.memory_space<vmem>>, vector<3800x128xf32>
    %reduce_max3A_188 = arith.constant dense<0xFF800000> : vector<128xf32>
    %reduce_max3A_189 = vector.multi_reduction <maximumf>, %get3A_187, %reduce_max3A_188 [0] : vector<3800x128xf32> to vector<128xf32>
    %max3A_190 = arith.maximumf %max3A_178, %reduce_max3A_189 : vector<128xf32>
    %dma_wait3A_191 = arith.constant 57000 : i32
    %dma_wait3A_192 = arith.constant 0 : i32
    %dma_wait3A_193 = tpu.memref_slice %arg0[%dma_wait3A_191, %dma_wait3A_192] : memref<100000x128xf32, #tpu.memory_space<any>> -> memref<3800x128xf32, #tpu.memory_space<any>>
    tpu.wait_dma2 semaphore(%arg11 : memref<!tpu.dma_semaphore, #tpu.memory_space<semaphore_mem>>) src(%dma_wait3A_193 : memref<3800x128xf32, #tpu.memory_space<any>>) dst(%arg5 : memref<3800x128xf32, #tpu.memory_space<vmem>>)
    %get3A_194 = arith.constant 0 : index
    %get3A_195 = arith.constant 0 : index
    %get3A_196 = vector.load %arg5[%get3A_194, %get3A_195] : memref<3800x128xf32, #tpu.memory_space<vmem>>, vector<3800x128xf32>
    %reduce_max3A_197 = arith.constant dense<0xFF800000> : vector<128xf32>
    %reduce_max3A_198 = vector.multi_reduction <maximumf>, %get3A_196, %reduce_max3A_197 [0] : vector<3800x128xf32> to vector<128xf32>
    %max3A_199 = arith.maximumf %max3A_190, %reduce_max3A_198 : vector<128xf32>
    %dma_wait3A_200 = arith.constant 60800 : i32
    %dma_wait3A_201 = arith.constant 0 : i32
    %dma_wait3A_202 = tpu.memref_slice %arg0[%dma_wait3A_200, %dma_wait3A_201] : memref<100000x128xf32, #tpu.memory_space<any>> -> memref<3800x128xf32, #tpu.memory_space<any>>
    tpu.wait_dma2 semaphore(%arg12 : memref<!tpu.dma_semaphore, #tpu.memory_space<semaphore_mem>>) src(%dma_wait3A_202 : memref<3800x128xf32, #tpu.memory_space<any>>) dst(%arg6 : memref<3800x128xf32, #tpu.memory_space<vmem>>)
    %get3A_203 = arith.constant 0 : index
    %get3A_204 = arith.constant 0 : index
    %get3A_205 = vector.load %arg6[%get3A_203, %get3A_204] : memref<3800x128xf32, #tpu.memory_space<vmem>>, vector<3800x128xf32>
    %reduce_max3A_206 = arith.constant dense<0xFF800000> : vector<128xf32>
    %reduce_max3A_207 = vector.multi_reduction <maximumf>, %get3A_205, %reduce_max3A_206 [0] : vector<3800x128xf32> to vector<128xf32>
    %max3A_208 = arith.maximumf %max3A_199, %reduce_max3A_207 : vector<128xf32>
    %dma_wait3A_209 = arith.constant 64600 : i32
    %dma_wait3A_210 = arith.constant 0 : i32
    %dma_wait3A_211 = tpu.memref_slice %arg0[%dma_wait3A_209, %dma_wait3A_210] : memref<100000x128xf32, #tpu.memory_space<any>> -> memref<3800x128xf32, #tpu.memory_space<any>>
    tpu.wait_dma2 semaphore(%arg13 : memref<!tpu.dma_semaphore, #tpu.memory_space<semaphore_mem>>) src(%dma_wait3A_211 : memref<3800x128xf32, #tpu.memory_space<any>>) dst(%arg7 : memref<3800x128xf32, #tpu.memory_space<vmem>>)
    %get3A_212 = arith.constant 0 : index
    %get3A_213 = arith.constant 0 : index
    %get3A_214 = vector.load %arg7[%get3A_212, %get3A_213] : memref<3800x128xf32, #tpu.memory_space<vmem>>, vector<3800x128xf32>
    %reduce_max3A_215 = arith.constant dense<0xFF800000> : vector<128xf32>
    %reduce_max3A_216 = vector.multi_reduction <maximumf>, %get3A_214, %reduce_max3A_215 [0] : vector<3800x128xf32> to vector<128xf32>
    %max3A_217 = arith.maximumf %max3A_208, %reduce_max3A_216 : vector<128xf32>
    %dma_wait3A_218 = arith.constant 68400 : i32
    %dma_wait3A_219 = arith.constant 0 : i32
    %dma_wait3A_220 = tpu.memref_slice %arg0[%dma_wait3A_218, %dma_wait3A_219] : memref<100000x128xf32, #tpu.memory_space<any>> -> memref<3800x128xf32, #tpu.memory_space<any>>
    tpu.wait_dma2 semaphore(%arg8 : memref<!tpu.dma_semaphore, #tpu.memory_space<semaphore_mem>>) src(%dma_wait3A_220 : memref<3800x128xf32, #tpu.memory_space<any>>) dst(%arg2 : memref<3800x128xf32, #tpu.memory_space<vmem>>)
    %get3A_221 = arith.constant 0 : index
    %get3A_222 = arith.constant 0 : index
    %get3A_223 = vector.load %arg2[%get3A_221, %get3A_222] : memref<3800x128xf32, #tpu.memory_space<vmem>>, vector<3800x128xf32>
    %reduce_max3A_224 = arith.constant dense<0xFF800000> : vector<128xf32>
    %reduce_max3A_225 = vector.multi_reduction <maximumf>, %get3A_223, %reduce_max3A_224 [0] : vector<3800x128xf32> to vector<128xf32>
    %max3A_226 = arith.maximumf %max3A_217, %reduce_max3A_225 : vector<128xf32>
    %dma_wait3A_227 = arith.constant 72200 : i32
    %dma_wait3A_228 = arith.constant 0 : i32
    %dma_wait3A_229 = tpu.memref_slice %arg0[%dma_wait3A_227, %dma_wait3A_228] : memref<100000x128xf32, #tpu.memory_space<any>> -> memref<3800x128xf32, #tpu.memory_space<any>>
    tpu.wait_dma2 semaphore(%arg9 : memref<!tpu.dma_semaphore, #tpu.memory_space<semaphore_mem>>) src(%dma_wait3A_229 : memref<3800x128xf32, #tpu.memory_space<any>>) dst(%arg3 : memref<3800x128xf32, #tpu.memory_space<vmem>>)
    %get3A_230 = arith.constant 0 : index
    %get3A_231 = arith.constant 0 : index
    %get3A_232 = vector.load %arg3[%get3A_230, %get3A_231] : memref<3800x128xf32, #tpu.memory_space<vmem>>, vector<3800x128xf32>
    %reduce_max3A_233 = arith.constant dense<0xFF800000> : vector<128xf32>
    %reduce_max3A_234 = vector.multi_reduction <maximumf>, %get3A_232, %reduce_max3A_233 [0] : vector<3800x128xf32> to vector<128xf32>
    %max3A_235 = arith.maximumf %max3A_226, %reduce_max3A_234 : vector<128xf32>
    %swap3A = arith.constant 0 : index
    %swap3A_236 = arith.constant 0 : index
    %swap3A_237 = vector.load %arg1[%swap3A, %swap3A_236] : memref<1x128xf32, #tpu.memory_space<vmem>>, vector<1x128xf32>
    %swap3A_238 = vector.shape_cast %swap3A_237 : vector<1x128xf32> to vector<128xf32>
    %swap3A_239 = vector.shape_cast %max3A_235 : vector<128xf32> to vector<1x128xf32>
    tpu.vector_store %arg1[%swap3A, %swap3A_236], %swap3A_239 {strides = array<i32>} : memref<1x128xf32, #tpu.memory_space<vmem>>, vector<1x128xf32>,
    return
  }
}

</mosaic_0001>

<sc_bundles>
// kernel: kernel.4.cloned.1.call-start
scs
__scs_entry_jumppad:
0x0: {  	(pc) =	sbr.rel $0x88, $3  }
0x1: {  	(tag) =	ssettag $0x0;
	lr =	simm.s32 $0x1  }
0x2: {  	[smem:$0x3FA0] =	sst lr;
	_ =	strace $0xD0000000  }
0x3: {  	_ = 	snop  }
0x4: {  	_ = 	snop  }
0x5: {  	_ = 	snop  }
0x6: {  	_ = 	snop  }
0x7: {  	_ = 	snop  }
__scs_overlays_trampoline_lowered:
0x8: {  	[smem:$0x3FAF] =	sst s0  }
0x9: {  	[smem:$0x3FB0] =	sst s1  }
0xa: {  	[smem:$0x3FB1] =	sst s2  }
0xb: {  	[smem:$0x3FB2] =	sst s3  }
0xc: {  	[smem:$0x3FB3] =	sst s4  }
0xd: {  	[smem:$0x3FB4] =	sst s5  }
0xe: {  	[smem:$0x3FB5] =	sst s6  }
0xf: {  	[smem:$0x3FB6] =	sst s7  }
0x10: {  	[smem:$0x3FB7] =	sst s8  }
0x11: {  	[smem:$0x3FB8] =	sst s9;
	s0 =	simm.s32 @!p0 $0x0  }
0x12: {  	s1 =	sld [smem:$0x3F9E];
	s0 =	simm.s32 @p0 $0x1  }
0x13: {  	[smem:$0x3FB9] =	sst s0;
	s0 =	simm.s32 @!p1 $0x0  }
0x14: {  	s2 =	sld [smem:$0x3F9D];
	s0 =	simm.s32 @p1 $0x1  }
0x15: {  	[smem:$0x3FBA] =	sst s0;
	s0 =	simm.s32 @!p2 $0x0  }
0x16: {  	s3 =	sld [smem:$0x3FDB];
	s0 =	simm.s32 @p2 $0x1  }
0x17: {  	s4 =	simm.s32 $0x1BF5;
	[smem:$0x3FBC] =	sst s0  }
0x18: {  	s0 =	sld [smem:$0x3F9F];
	_ =	swait.ge [sflag:s4], $0x0  }
0x19: {  	s7 =	sld [smem:$0x3FA0]  }
0x1a: {  	s8 =	sadd.s32 $0xFFFFE003, lr  }
0x1b: {  	s9 =	sadd.s32 $0xFFFFFEF7, lr;
	s5 =	simm.s32 $0xFFFFFFFF;
	p2 =	slt.u32 s8, $0xFFFFF086  }
0x1c: {  	p1 =	slt.u32 s9, $0xF7A;
	s5 =	simm.s32 @!p2 $0x0  }
0x1d: {  	s5 =	simm.s32 @p1 $0x1;
	p0 =	seq.s32 s7, s2  }
0x1e: {  	s7 =	smul.u32 @!p0 $0xF7A, s2;
	p2 =	seq.s32 @!p0 s5, $0x0  }
0x1f: {  	s9 =	smul.u32 $0xF7A, s1;
	s8 =	simm.s32 @!p0 $0x1BF5;
	p2 =	por !p2, p0  }
0x20: {  	[sflag:s8] =	ssyncset.s32 @!p0 $0xFFFFF086;
	s6 =	sadd.s32 @!p0 s3, s7;
	s7 =	simm.s32 @!p0 $0x108  }
0x21: {  	s3 =	sadd.s32 s3, s9;
	s6 =	sadd.s32 @!p0 $0x88, s6;
	s7 =	simm.s32 @p2 $0x1082  }
0x22: {  	[simem:s7], [sflag:s8] =	dma.local @!p0 [hbm:s6], $0xF7A  }
0x23: {  	s9 =	sor.u32 $0xD0000000, s2;
	s6 =	simm.s32 $0x108;
	_ =	swait.ge @!p0 [sflag:s8], $0x0  }
0x24: {  	s3 =	sadd.s32 $0x88, s3;
	s6 =	simm.s32 @!p1 $0x1082;
	[sflag:s4] =	ssyncset.s32 $0xFFFFF086  }
0x25: {  	[simem:s6], [sflag:s4] =	dma.local [hbm:s3], $0xF7A  }
0x26: {  	[smem:$0x3FA0] =	sst s1;
	(tag) =	ssettag s2;
	_ =	strace s9  }
0x27: {  	s1 =	sld [smem:$0x3FB0]  }
0x28: {  	s2 =	sld [smem:$0x3FB1]  }
0x29: {  	s4 =	sld [smem:$0x3FB3]  }
0x2a: {  	p0 =	seq.s32 s5, $0x0;
	s5 =	sld [smem:$0x3FB4]  }
0x2b: {  	s6 =	sld [smem:$0x3FB5]  }
0x2c: {  	s7 =	sld [smem:$0x3FB6]  }
0x2d: {  	s3 =	simm.s32 $0x108;
	s8 =	sld [smem:$0x3FB7]  }
0x2e: {  	s3 =	simm.s32 @!p0 $0x1082;
	s9 =	sld [smem:$0x3FB8]  }
0x2f: {  	lr =	sadd.s32 s0, s3;
	s0 =	sld [smem:$0x3FAF]  }
0x30: {  	s3 =	sld [smem:$0x3FB2]  }
0x31: {  	[smem:$0x3FBB] =	sst s10  }
0x32: {  	s10 =	sld [smem:$0x3FB9];
	_ =	sdelay $0x3  }
0x33: {  	p0 =	seq.s32 s10, $0x1;
	s10 =	sld [smem:$0x3FBB];
	_ =	sdelay $0x3  }
0x34: {  	[smem:$0x3FBB] =	sst s10  }
0x35: {  	s10 =	sld [smem:$0x3FBA];
	_ =	sdelay $0x3  }
0x36: {  	p1 =	seq.s32 s10, $0x1;
	s10 =	sld [smem:$0x3FBB];
	_ =	sdelay $0x3  }
0x37: {  	[smem:$0x3FBB] =	sst s10  }
0x38: {  	s10 =	sld [smem:$0x3FBC]  }
0x39: {  	_ = 	snop;
	(pc) =	sbr.ind lr, $3  }
0x3a: {  	_ = 	snop  }
0x3b: {  	_ = 	snop  }
0x3c: {  	p2 =	seq.s32 s10, $0x1;
	s10 =	sld [smem:$0x3FBB]  }
0x3d: {  	_ =	shalt  }
0x3e: {  	_ =	shalt  }
0x3f: {  	_ =	shalt  }
0x40: {  	_ =	shalt  }
0x41: {  	_ =	shalt  }
0x42: {  	_ =	shalt  }
0x43: {  	_ =	shalt  }
0x44: {  	_ =	shalt  }
0x45: {  	_ =	shalt  }
0x46: {  	_ =	shalt  }
0x47: {  	_ =	shalt  }
0x48: {  	_ =	shalt  }
0x49: {  	_ =	shalt  }
0x4a: {  	_ =	shalt  }
0x4b: {  	_ =	shalt  }
0x4c: {  	_ =	shalt  }
0x4d: {  	_ =	shalt  }
0x4e: {  	_ =	shalt  }
0x4f: {  	_ =	shalt  }
0x50: {  	_ =	shalt  }
0x51: {  	_ =	shalt  }
0x52: {  	_ =	shalt  }
0x53: {  	_ =	shalt  }
0x54: {  	_ =	shalt  }
0x55: {  	_ =	shalt  }
0x56: {  	_ =	shalt  }
0x57: {  	_ =	shalt  }
0x58: {  	_ =	shalt  }
0x59: {  	_ =	shalt  }
0x5a: {  	_ =	shalt  }
0x5b: {  	_ =	shalt  }
0x5c: {  	_ =	shalt  }
0x5d: {  	_ =	shalt  }
0x5e: {  	_ =	shalt  }
0x5f: {  	_ =	shalt  }
0x60: {  	_ =	shalt  }
0x61: {  	_ =	shalt  }
0x62: {  	_ =	shalt  }
0x63: {  	_ =	shalt  }
0x64: {  	_ =	shalt  }
0x65: {  	_ =	shalt  }
0x66: {  	_ =	shalt  }
0x67: {  	_ =	shalt  }
0x68: {  	_ =	shalt  }
0x69: {  	_ =	shalt  }
0x6a: {  	_ =	shalt  }
0x6b: {  	_ =	shalt  }
0x6c: {  	_ =	shalt  }
0x6d: {  	_ =	shalt  }
0x6e: {  	_ =	shalt  }
0x6f: {  	_ =	shalt  }
0x70: {  	_ =	shalt  }
0x71: {  	_ =	shalt  }
0x72: {  	_ =	shalt  }
0x73: {  	_ =	shalt  }
0x74: {  	_ =	shalt  }
0x75: {  	_ =	shalt  }
0x76: {  	_ =	shalt  }
0x77: {  	_ =	shalt  }
0x78: {  	_ =	shalt  }
0x79: {  	_ =	shalt  }
0x7a: {  	_ =	shalt  }
0x7b: {  	_ =	shalt  }
0x7c: {  	_ =	shalt  }
0x7d: {  	_ =	shalt  }
0x7e: {  	_ =	shalt  }
0x7f: {  	_ =	shalt  }
0x80: {  	_ =	shalt  }
0x81: {  	_ =	shalt  }
0x82: {  	_ =	shalt  }
0x83: {  	_ =	shalt  }
0x84: {  	_ =	shalt  }
0x85: {  	_ =	shalt  }
0x86: {  	_ =	shalt  }
0x87: {  	_ =	shalt  }
.Lfunc_end0:
.L_simem_size_0:
called_computation_lowered:
.L_overlay_start_0:
0x88: {  	s0 =	sld [smem:$0x3FD9]  }
0x89: {  	s1 =	sld [smem:$0x3FFE];
	_ =	sdelay $0x3  }
0x8a: {  	s0 =	sadd.s32 s1, s0  }
0x8b: {  	[smem:$0x3FC7] =	sst s0  }
0x8c: {  	_ = 	snop  }
0x8d: {  	s0 =	sld [smem:$0x3FC9]  }
0x8e: {  	s17 =	sld [smem:$0x3FD0];
	(tm) =	ssettm $0x1  }
0x8f: {  	s2 =	sld [smem:$0x3FFB];
	_ =	sdelay $0x3  }
0x90: {  	_ =	strace s2  }
0x91: {  	s2 =	sld [smem:$0x3FFC];
	_ =	sdelay $0x3  }
0x92: {  	_ =	strace s2  }
0x93: {  	s2 =	sld [smem:$0x3FFD];
	_ =	sdelay $0x3  }
0x94: {  	_ =	strace s2  }
0x95: {  	_ =	strace $0x8FFFFFFF  }
0x96: {  	s18 =	sld [smem:$0x3FDB];
	_ =	sdelay $0x1  }
0x97: {  	s3 =	simm.s32 $_scs_section_size  }
0x98: {  	s4 =	simm.s32 $_size__tile_overlayer_lowered;
	s5 =	simm.s32 $_tile_overlayer_lowered  }
0x99: {  	s21 =	simm.s32 $0x1BFF;
	s20 =	sshll.u32 s5, $0x1;
	s2 =	sadd.s32 s3, s18  }
0x9a: {  	s6 =	simm.s32 $0x0;
	s19 =	sshll.u32 s4, $0x1;
	s4 =	sadd.s32 s20, s2  }
0x9b: {  	[timem:s6], [sflag:s21] =	dma.local [hbm:s4], s19  }
0x9c: {  	_ =	swait.ge [sflag:s21], s19  }
0x9d: {  	s3 =	ssub.s32 $0x0, s19;
	[sflag:s21] =	ssyncset.done $0x0  }
0x9e: {  	[sflag:s21] =	ssyncadd.s32 s3;
	_ =	sdelay $0x1  }
0x9f: {  	s22 =	simm.s32 $0x1B8B  }
0xa0: {  	_ =	swait.ge [sflag:s22], $0x1  }
0xa1: {  	[sflag:s22] =	ssyncset.done $0x0  }
0xa2: {  	s23 =	simm.s32 $0x1B8E;
	[sflag:s22] =	ssyncadd.s32 $0xFFFFFFFF  }
0xa3: {  	s24 =	simm.s32 $execute0_lowered;
	[smem:$0x3FD2] =	sst s23  }
0xa4: {  	s3 =	sshll.u32 s24, $0x1;
	_ =	strace $0x80000046;
	[dreg:$0x1] =	wrdreg $0xFFFFFFFF  }
0xa5: {  	s25 =	simm.s32 $_size_execute0_lowered;
	s2 =	sadd.s32 s2, s3;
	[dreg:$0x0] =	wrdreg $0x0  }
0xa6: {  	s3 =	sshll.u32 s25, $0x1;
	[dreg:$0x2] =	wrdreg s2  }
0xa7: {  	[dreg:$0x3] =	wrdreg s3  }
0xa8: {  	[dreg:$0x4] =	wrdreg $0xC0  }
0xa9: {  	_ =	task [dreg:s6], $0x5FFFF  }
0xaa: {  	[dreg:$0x1] =	wrdreg $0xFFFFFFFF  }
0xab: {  	[dreg:$0x0] =	wrdreg $0x60  }
0xac: {  	[dreg:$0x2] =	wrdreg s0  }
0xad: {  	[dreg:$0x3] =	wrdreg s17  }
0xae: {  	[dreg:$0x4] =	wrdreg $0x85800  }
0xaf: {  	[dreg:$0x5] =	wrdreg $0x9  }
0xb0: {  	_ =	task.clear_ibuf [dreg:s6], $0x6FFFF;
	_ =	strace $0x90000046  }
0xb1: {  	s26 =	simm.s32 $0x9;
	_ =	strace $0x80000048  }
0xb2: {  	_ =	swait.ge [sflag:s26], $0x1  }
0xb3: {  	[sflag:s26] =	ssyncadd.s32 $0xFFFFFFFF  }
0xb4: {  	_ =	strace $0x90000048  }
0xb5: {  	_ =	sfence  }
0xb6: {  	s28 =	sld [smem:$0x0];
	_ =	sdelay $0x1  }
0xb7: {  	s29 =	srdreg.scid  }
0xb8: {  	s30 =	sshll.u32 s29, $0xD;
	s31 =	sshrl.u32 s29, $0x2  }
0xb9: {  	s1 =	sand.u32 $0x1, s29;
	s2 =	sand.u32 $0x4000, s30;
	s0 =	sadd.s32 s31, s28  }
0xba: {  	s1 =	sor.u32 s2, s1;
	s0 =	sshll.u32 s0, $0x11  }
0xbb: {  	s0 =	sor.u32 s0, s1  }
0xbc: {  	s0 =	sadd.s32 $0x8F2B, s0  }
0xbd: {  	[sflag:s0] =	ssyncadd.remote.s32 $0x1  }
0xbe: {  	_ =	sfence.sel $0xFFFF  }
0xbf: {  	[dreg:$0x0] =	wrdreg $0xFFFFFFFF;
	(pc) =	sbr.abs _section_cstart, $3  }
0xc0: {  	[dreg:$0x1] =	wrdreg $0xFFFFFFFF  }
0xc1: {  	_ =	task.clear_ibuf [dreg:s6], $0x2FFFF;
	_ =	strace $0x9FFFFFFF  }
0xc2: {  	(tm) =	ssettm $0x7FFFFFFF  }
0xc3: {  	_ =	shalt  }
tec
execute0_lowered:
.L_overlay_start_1:
0x0: {  	(tag) =	ssettag $0x1  }
0x1: {  	s3 =	stileid.u32  }
0x2: {  	s4 =	rddreg [dreg:$0x0];
	s5 =	smul.u32 $0x2EE00, s3  }
0x3: {  	s1 =	rddreg [dreg:$0x1]  }
0x4: {  	s2 =	rddreg [dreg:$0x2];
	s6 =	simm.s32 $0x0;
	s5 =	sshrl.u32 s5, $0x3  }
0x5: {  	[smem:$0x7FF] =	sst s6;
	s4 =	sadd.s32 s4, s5  }
0x6: {  	s0 =	rddreg [dreg:$0x3];
	_ =	strace $0x80000047;
	s5 =	sadd.s32 $0x128E00, s4  }
0x7: {  	[tilespmem:s6], [sflag:$0x1] =	stream.linear.gather [hbm4b:s5+s6], $0x3E80, $0x38;
	[tilespmem:$0x8600] =	vst v63  }
0x8: {  	s7 =	simm.s32 $0x3E80;
	s30 =	simm.s32 $0x1;
	s29 =	sadd.s32 $0x1295D0, s4  }
0x9: {  	[tilespmem:s7], [sflag:$0x2] =	stream.linear.gather [hbm4b:s29+s6], $0x3E80, $0x38;
	[tilespmem:$0x8600] =	vst v63  }
0xa: {  	_ =	swait.ge [sflag:s30], $0x3E80  }
0xb: {  	[sflag:s30] =	ssyncset.done $0x0  }
0xc: {  	s31 =	simm.s32 $0x0;
	[sflag:s30] =	ssyncadd.s32 $0xFFFFC180  }
0xd: {  	v0 =	vld [tilespmem:s31+$0x70]  }
0xe: {  	v1 =	vld [tilespmem:s31+$0x0]  }
0xf: {  	v2 =	vld [tilespmem:s31+$0x10]  }
0x10: {  	v5 =	vld [tilespmem:s31+$0x20]  }
0x11: {  	v6 =	vld [tilespmem:s31+$0x30]  }
0x12: {  	v3 =	vimm.f32 $-3.399999950e+38;
	v4 =	vimm.f32 $-3.399999950e+38;
	v7 =	vld [tilespmem:s31+$0x40]  }
0x13: {  	v8 =	vimm.f32 $-3.399999950e+38;
	v10 =	vimm.f32 $-3.399999950e+38;
	v9 =	vimm.f32 $-3.399999950e+38;
	v11 =	vld [tilespmem:s31+$0x50]  }
0x14: {  	s5 =	simm.s32 $0x80;
	s6 =	simm.s32 $0x400;
	v12 =	vld [tilespmem:s31+$0x60];
	v0 =	vmax.f32 v3, v0;
	v1 =	vmax.f32 v3, v1;
	v2 =	vmax.f32 v3, v2  }
.LBB2_1:
0x15: {  	p0 =	sne.s32 s6, $0xF800;
	v13 =	vld [tilespmem:s5+$0x70];
	v3 =	vmax.f32 v3, v5  }
0x16: {  	v14 =	vld [tilespmem:s5+$0x0];
	v4 =	vmax.f32 v4, v6  }
0x17: {  	v15 =	vld [tilespmem:s5+$0x10];
	v8 =	vmax.f32 v8, v7  }
.Ltmp0:
0x18: {  	v5 =	vld [tilespmem:s5+$0x20];
	v10 =	vmax.f32 v10, v11;
	(pc) =	sbr.rel @p0 .LBB2_1-.Ltmp0, $4  }
0x19: {  	v6 =	vld [tilespmem:s5+$0x30];
	v9 =	vmax.f32 v9, v12  }
0x1a: {  	v7 =	vld [tilespmem:s5+$0x40];
	v0 =	vmax.f32 v0, v13  }
0x1b: {  	v1 =	vmax.f32 v1, v14;
	v11 =	vld [tilespmem:s5+$0x50]  }
0x1c: {  	v2 =	vmax.f32 v2, v15;
	v12 =	vld [tilespmem:s5+$0x60];
	s5 =	sshra.s32 s6, $0x2;
	s6 =	sadd.s32 $0x200, s6  }
0x1d: {  	v13 =	vld [tilespmem:s5+$0x70]  }
0x1e: {  	v14 =	vld [tilespmem:s5+$0x0]  }
0x1f: {  	v15 =	vld [tilespmem:s5+$0x10]  }
0x20: {  	v16 =	vld [tilespmem:s5+$0x20]  }
0x21: {  	v17 =	vld [tilespmem:s5+$0x30]  }
0x22: {  	v18 =	vld [tilespmem:s5+$0x40]  }
0x23: {  	v19 =	vld [tilespmem:s5+$0x50];
	s30 =	sadd.s32 $0x129DA0, s4;
	s6 =	simm.s32 $0x0;
	s31 =	simm.s32 $0x2  }
0x24: {  	v20 =	vld [tilespmem:s5+$0x60];
	[tilespmem:s6], [sflag:$0x1] =	stream.linear.gather [hbm4b:s30+s6], $0x3E80, $0x38  }
0x25: {  	_ =	swait.ge [sflag:s31], $0x3E80  }
0x26: {  	[sflag:s31] =	ssyncset.done $0x0  }
0x27: {  	s7 =	simm.s32 $0x0;
	[sflag:s31] =	ssyncadd.s32 $0xFFFFC180  }
0x28: {  	v21 =	vld [tilespmem:s7+$0x3EF0]  }
0x29: {  	v22 =	vld [tilespmem:s7+$0x3E80]  }
0x2a: {  	v3 =	vmax.f32 v3, v5;
	v23 =	vld [tilespmem:s7+$0x3E90]  }
0x2b: {  	v4 =	vmax.f32 v4, v6;
	v5 =	vmax.f32 v8, v7;
	v6 =	vmax.f32 v10, v11;
	v8 =	vld [tilespmem:s7+$0x3EA0]  }
0x2c: {  	v7 =	vmax.f32 v9, v12;
	v12 =	vmax.f32 v0, v13;
	v13 =	vmax.f32 v1, v14;
	v9 =	vld [tilespmem:s7+$0x3EB0]  }
0x2d: {  	v14 =	vmax.f32 v2, v15;
	v2 =	vmax.f32 v3, v16;
	v0 =	vmax.f32 v4, v17;
	v10 =	vld [tilespmem:s7+$0x3EC0]  }
0x2e: {  	v3 =	vmax.f32 v5, v18;
	v4 =	vmax.f32 v6, v19;
	v1 =	vmax.f32 v7, v20;
	v11 =	vld [tilespmem:s7+$0x3ED0]  }
0x2f: {  	s5 =	simm.s32 $0x80;
	s6 =	simm.s32 $0x400;
	v5 =	vmax.f32 v12, v21;
	v6 =	vmax.f32 v13, v22;
	v7 =	vmax.f32 v14, v23;
	v12 =	vld [tilespmem:s7+$0x3EE0]  }
.LBB2_3:
0x30: {  	p0 =	sne.s32 s6, $0xF800;
	v13 =	vld [tilespmem:s5+$0x3EF0];
	v2 =	vmax.f32 v2, v8  }
0x31: {  	v14 =	vld [tilespmem:s5+$0x3E80];
	v0 =	vmax.f32 v0, v9  }
0x32: {  	v15 =	vld [tilespmem:s5+$0x3E90];
	v3 =	vmax.f32 v3, v10  }
.Ltmp1:
0x33: {  	v8 =	vld [tilespmem:s5+$0x3EA0];
	v4 =	vmax.f32 v4, v11;
	(pc) =	sbr.rel @p0 .LBB2_3-.Ltmp1, $4  }
0x34: {  	v9 =	vld [tilespmem:s5+$0x3EB0];
	v1 =	vmax.f32 v1, v12  }
0x35: {  	v10 =	vld [tilespmem:s5+$0x3EC0];
	v5 =	vmax.f32 v5, v13  }
0x36: {  	v6 =	vmax.f32 v6, v14;
	v11 =	vld [tilespmem:s5+$0x3ED0]  }
0x37: {  	v7 =	vmax.f32 v7, v15;
	v12 =	vld [tilespmem:s5+$0x3EE0];
	s5 =	sshra.s32 s6, $0x2;
	s6 =	sadd.s32 $0x200, s6  }
0x38: {  	v13 =	vld [tilespmem:s5+$0x3EF0]  }
0x39: {  	v14 =	vld [tilespmem:s5+$0x3E80]  }
0x3a: {  	v15 =	vld [tilespmem:s5+$0x3E90]  }
0x3b: {  	v16 =	vld [tilespmem:s5+$0x3EA0]  }
0x3c: {  	v17 =	vld [tilespmem:s5+$0x3EB0]  }
0x3d: {  	v18 =	vld [tilespmem:s5+$0x3EC0];
	s29 =	sadd.s32 $0x12A570, s4  }
0x3e: {  	v19 =	vld [tilespmem:s5+$0x3ED0];
	s6 =	simm.s32 $0x0;
	s7 =	simm.s32 $0x3E80;
	s30 =	simm.s32 $0x1  }
0x3f: {  	v20 =	vld [tilespmem:s5+$0x3EE0];
	[tilespmem:s7], [sflag:$0x2] =	stream.linear.gather [hbm4b:s29+s6], $0x3E80, $0x38  }
0x40: {  	_ =	swait.ge [sflag:s30], $0x3E80  }
0x41: {  	[sflag:s30] =	ssyncset.done $0x0  }
0x42: {  	s31 =	simm.s32 $0x0;
	[sflag:s30] =	ssyncadd.s32 $0xFFFFC180  }
0x43: {  	v21 =	vld [tilespmem:s31+$0x70]  }
0x44: {  	v22 =	vld [tilespmem:s31+$0x0]  }
0x45: {  	v2 =	vmax.f32 v2, v8;
	v23 =	vld [tilespmem:s31+$0x10]  }
0x46: {  	v0 =	vmax.f32 v0, v9;
	v3 =	vmax.f32 v3, v10;
	v4 =	vmax.f32 v4, v11;
	v8 =	vld [tilespmem:s31+$0x20]  }
0x47: {  	v1 =	vmax.f32 v1, v12;
	v5 =	vmax.f32 v5, v13;
	v6 =	vmax.f32 v6, v14;
	v9 =	vld [tilespmem:s31+$0x30]  }
0x48: {  	v7 =	vmax.f32 v7, v15;
	v2 =	vmax.f32 v2, v16;
	v0 =	vmax.f32 v0, v17;
	v10 =	vld [tilespmem:s31+$0x40]  }
0x49: {  	v3 =	vmax.f32 v3, v18;
	v4 =	vmax.f32 v4, v19;
	v1 =	vmax.f32 v1, v20;
	v11 =	vld [tilespmem:s31+$0x50]  }
0x4a: {  	s5 =	simm.s32 $0x80;
	s6 =	simm.s32 $0x400;
	v12 =	vld [tilespmem:s31+$0x60];
	v5 =	vmax.f32 v5, v21;
	v6 =	vmax.f32 v6, v22;
	v7 =	vmax.f32 v7, v23  }
.LBB2_5:
0x4b: {  	p0 =	sne.s32 s6, $0xF800;
	v13 =	vld [tilespmem:s5+$0x70];
	v2 =	vmax.f32 v2, v8  }
0x4c: {  	v14 =	vld [tilespmem:s5+$0x0];
	v0 =	vmax.f32 v0, v9  }
0x4d: {  	v15 =	vld [tilespmem:s5+$0x10];
	v3 =	vmax.f32 v3, v10  }
.Ltmp2:
0x4e: {  	v8 =	vld [tilespmem:s5+$0x20];
	v4 =	vmax.f32 v4, v11;
	(pc) =	sbr.rel @p0 .LBB2_5-.Ltmp2, $4  }
0x4f: {  	v9 =	vld [tilespmem:s5+$0x30];
	v1 =	vmax.f32 v1, v12  }
0x50: {  	v10 =	vld [tilespmem:s5+$0x40];
	v5 =	vmax.f32 v5, v13  }
0x51: {  	v6 =	vmax.f32 v6, v14;
	v11 =	vld [tilespmem:s5+$0x50]  }
0x52: {  	v7 =	vmax.f32 v7, v15;
	v12 =	vld [tilespmem:s5+$0x60];
	s5 =	sshra.s32 s6, $0x2;
	s6 =	sadd.s32 $0x200, s6  }
0x53: {  	v13 =	vld [tilespmem:s5+$0x70]  }
0x54: {  	v14 =	vld [tilespmem:s5+$0x0]  }
0x55: {  	v15 =	vld [tilespmem:s5+$0x10]  }
0x56: {  	v16 =	vld [tilespmem:s5+$0x20]  }
0x57: {  	v17 =	vld [tilespmem:s5+$0x30]  }
0x58: {  	v18 =	vld [tilespmem:s5+$0x40]  }
0x59: {  	v19 =	vld [tilespmem:s5+$0x50];
	s30 =	sadd.s32 $0x12AD40, s4;
	s6 =	simm.s32 $0x0;
	s31 =	simm.s32 $0x2  }
0x5a: {  	v20 =	vld [tilespmem:s5+$0x60];
	[tilespmem:s6], [sflag:$0x1] =	stream.linear.gather [hbm4b:s30+s6], $0x3E80, $0x38  }
0x5b: {  	_ =	swait.ge [sflag:s31], $0x3E80  }
0x5c: {  	[sflag:s31] =	ssyncset.done $0x0  }
0x5d: {  	s7 =	simm.s32 $0x0;
	[sflag:s31] =	ssyncadd.s32 $0xFFFFC180  }
0x5e: {  	v21 =	vld [tilespmem:s7+$0x3EF0]  }
0x5f: {  	v22 =	vld [tilespmem:s7+$0x3E80]  }
0x60: {  	v2 =	vmax.f32 v2, v8;
	v23 =	vld [tilespmem:s7+$0x3E90]  }
0x61: {  	v0 =	vmax.f32 v0, v9;
	v3 =	vmax.f32 v3, v10;
	v4 =	vmax.f32 v4, v11;
	v8 =	vld [tilespmem:s7+$0x3EA0]  }
0x62: {  	v1 =	vmax.f32 v1, v12;
	v5 =	vmax.f32 v5, v13;
	v6 =	vmax.f32 v6, v14;
	v9 =	vld [tilespmem:s7+$0x3EB0]  }
0x63: {  	v7 =	vmax.f32 v7, v15;
	v2 =	vmax.f32 v2, v16;
	v0 =	vmax.f32 v0, v17;
	v10 =	vld [tilespmem:s7+$0x3EC0]  }
0x64: {  	v3 =	vmax.f32 v3, v18;
	v4 =	vmax.f32 v4, v19;
	v1 =	vmax.f32 v1, v20;
	v11 =	vld [tilespmem:s7+$0x3ED0]  }
0x65: {  	s5 =	simm.s32 $0x80;
	s6 =	simm.s32 $0x400;
	v12 =	vld [tilespmem:s7+$0x3EE0];
	v5 =	vmax.f32 v5, v21;
	v6 =	vmax.f32 v6, v22;
	v7 =	vmax.f32 v7, v23  }
.LBB2_7:
0x66: {  	p0 =	sne.s32 s6, $0xF800;
	v13 =	vld [tilespmem:s5+$0x3EF0];
	v2 =	vmax.f32 v2, v8  }
0x67: {  	v14 =	vld [tilespmem:s5+$0x3E80];
	v0 =	vmax.f32 v0, v9  }
0x68: {  	v15 =	vld [tilespmem:s5+$0x3E90];
	v3 =	vmax.f32 v3, v10  }
.Ltmp3:
0x69: {  	v8 =	vld [tilespmem:s5+$0x3EA0];
	v4 =	vmax.f32 v4, v11;
	(pc) =	sbr.rel @p0 .LBB2_7-.Ltmp3, $4  }
0x6a: {  	v9 =	vld [tilespmem:s5+$0x3EB0];
	v1 =	vmax.f32 v1, v12  }
0x6b: {  	v10 =	vld [tilespmem:s5+$0x3EC0];
	v5 =	vmax.f32 v5, v13  }
0x6c: {  	v6 =	vmax.f32 v6, v14;
	v11 =	vld [tilespmem:s5+$0x3ED0]  }
0x6d: {  	v7 =	vmax.f32 v7, v15;
	v12 =	vld [tilespmem:s5+$0x3EE0];
	s5 =	sshra.s32 s6, $0x2;
	s6 =	sadd.s32 $0x200, s6  }
0x6e: {  	v13 =	vld [tilespmem:s5+$0x3EF0]  }
0x6f: {  	v14 =	vld [tilespmem:s5+$0x3E80]  }
0x70: {  	v15 =	vld [tilespmem:s5+$0x3E90]  }
0x71: {  	v16 =	vld [tilespmem:s5+$0x3EA0]  }
0x72: {  	v17 =	vld [tilespmem:s5+$0x3EB0]  }
0x73: {  	v18 =	vld [tilespmem:s5+$0x3EC0];
	s29 =	sadd.s32 $0x12B510, s4  }
0x74: {  	v19 =	vld [tilespmem:s5+$0x3ED0];
	s6 =	simm.s32 $0x0;
	s7 =	simm.s32 $0x3E80;
	s30 =	simm.s32 $0x1  }
0x75: {  	v20 =	vld [tilespmem:s5+$0x3EE0];
	[tilespmem:s7], [sflag:$0x2] =	stream.linear.gather [hbm4b:s29+s6], $0x3E80, $0x38  }
0x76: {  	_ =	swait.ge [sflag:s30], $0x3E80  }
0x77: {  	[sflag:s30] =	ssyncset.done $0x0  }
0x78: {  	s31 =	simm.s32 $0x0;
	[sflag:s30] =	ssyncadd.s32 $0xFFFFC180  }
0x79: {  	v21 =	vld [tilespmem:s31+$0x70]  }
0x7a: {  	v22 =	vld [tilespmem:s31+$0x0]  }
0x7b: {  	v2 =	vmax.f32 v2, v8;
	v23 =	vld [tilespmem:s31+$0x10]  }
0x7c: {  	v0 =	vmax.f32 v0, v9;
	v3 =	vmax.f32 v3, v10;
	v4 =	vmax.f32 v4, v11;
	v8 =	vld [tilespmem:s31+$0x20]  }
0x7d: {  	v1 =	vmax.f32 v1, v12;
	v5 =	vmax.f32 v5, v13;
	v6 =	vmax.f32 v6, v14;
	v9 =	vld [tilespmem:s31+$0x30]  }
0x7e: {  	v7 =	vmax.f32 v7, v15;
	v2 =	vmax.f32 v2, v16;
	v0 =	vmax.f32 v0, v17;
	v10 =	vld [tilespmem:s31+$0x40]  }
0x7f: {  	v3 =	vmax.f32 v3, v18;
	v4 =	vmax.f32 v4, v19;
	v1 =	vmax.f32 v1, v20;
	v11 =	vld [tilespmem:s31+$0x50]  }
0x80: {  	s5 =	simm.s32 $0x80;
	s6 =	simm.s32 $0x400;
	v12 =	vld [tilespmem:s31+$0x60];
	v5 =	vmax.f32 v5, v21;
	v6 =	vmax.f32 v6, v22;
	v7 =	vmax.f32 v7, v23  }
.LBB2_9:
0x81: {  	p0 =	sne.s32 s6, $0xF800;
	v13 =	vld [tilespmem:s5+$0x70];
	v2 =	vmax.f32 v2, v8  }
0x82: {  	v14 =	vld [tilespmem:s5+$0x0];
	v0 =	vmax.f32 v0, v9  }
0x83: {  	v15 =	vld [tilespmem:s5+$0x10];
	v3 =	vmax.f32 v3, v10  }
.Ltmp4:
0x84: {  	v8 =	vld [tilespmem:s5+$0x20];
	v4 =	vmax.f32 v4, v11;
	(pc) =	sbr.rel @p0 .LBB2_9-.Ltmp4, $4  }
0x85: {  	v9 =	vld [tilespmem:s5+$0x30];
	v1 =	vmax.f32 v1, v12  }
0x86: {  	v10 =	vld [tilespmem:s5+$0x40];
	v5 =	vmax.f32 v5, v13  }
0x87: {  	v6 =	vmax.f32 v6, v14;
	v11 =	vld [tilespmem:s5+$0x50]  }
0x88: {  	v7 =	vmax.f32 v7, v15;
	v12 =	vld [tilespmem:s5+$0x60];
	s5 =	sshra.s32 s6, $0x2;
	s6 =	sadd.s32 $0x200, s6  }
0x89: {  	v13 =	vld [tilespmem:s5+$0x70]  }
0x8a: {  	v14 =	vld [tilespmem:s5+$0x0]  }
0x8b: {  	v15 =	vld [tilespmem:s5+$0x10]  }
0x8c: {  	v16 =	vld [tilespmem:s5+$0x20]  }
0x8d: {  	v17 =	vld [tilespmem:s5+$0x30]  }
0x8e: {  	v18 =	vld [tilespmem:s5+$0x40]  }
0x8f: {  	v19 =	vld [tilespmem:s5+$0x50];
	s30 =	sadd.s32 $0x12BCE0, s4;
	s6 =	simm.s32 $0x0;
	s31 =	simm.s32 $0x2  }
0x90: {  	v20 =	vld [tilespmem:s5+$0x60];
	[tilespmem:s6], [sflag:$0x1] =	stream.linear.gather [hbm4b:s30+s6], $0x3E80, $0x38  }
0x91: {  	_ =	swait.ge [sflag:s31], $0x3E80  }
0x92: {  	[sflag:s31] =	ssyncset.done $0x0  }
0x93: {  	s7 =	simm.s32 $0x0;
	[sflag:s31] =	ssyncadd.s32 $0xFFFFC180  }
0x94: {  	v21 =	vld [tilespmem:s7+$0x3EF0]  }
0x95: {  	v22 =	vld [tilespmem:s7+$0x3E80]  }
0x96: {  	v2 =	vmax.f32 v2, v8;
	v23 =	vld [tilespmem:s7+$0x3E90]  }
0x97: {  	v0 =	vmax.f32 v0, v9;
	v3 =	vmax.f32 v3, v10;
	v4 =	vmax.f32 v4, v11;
	v8 =	vld [tilespmem:s7+$0x3EA0]  }
0x98: {  	v1 =	vmax.f32 v1, v12;
	v5 =	vmax.f32 v5, v13;
	v6 =	vmax.f32 v6, v14;
	v9 =	vld [tilespmem:s7+$0x3EB0]  }
0x99: {  	v7 =	vmax.f32 v7, v15;
	v2 =	vmax.f32 v2, v16;
	v0 =	vmax.f32 v0, v17;
	v10 =	vld [tilespmem:s7+$0x3EC0]  }
0x9a: {  	v3 =	vmax.f32 v3, v18;
	v4 =	vmax.f32 v4, v19;
	v1 =	vmax.f32 v1, v20;
	v11 =	vld [tilespmem:s7+$0x3ED0]  }
0x9b: {  	s5 =	simm.s32 $0x80;
	s6 =	simm.s32 $0x400;
	v12 =	vld [tilespmem:s7+$0x3EE0];
	v5 =	vmax.f32 v5, v21;
	v6 =	vmax.f32 v6, v22;
	v7 =	vmax.f32 v7, v23  }
.LBB2_11:
0x9c: {  	p0 =	sne.s32 s6, $0xF800;
	v13 =	vld [tilespmem:s5+$0x3EF0];
	v2 =	vmax.f32 v2, v8  }
0x9d: {  	v14 =	vld [tilespmem:s5+$0x3E80];
	v0 =	vmax.f32 v0, v9  }
0x9e: {  	v15 =	vld [tilespmem:s5+$0x3E90];
	v3 =	vmax.f32 v3, v10  }
.Ltmp5:
0x9f: {  	v8 =	vld [tilespmem:s5+$0x3EA0];
	v4 =	vmax.f32 v4, v11;
	(pc) =	sbr.rel @p0 .LBB2_11-.Ltmp5, $4  }
0xa0: {  	v9 =	vld [tilespmem:s5+$0x3EB0];
	v1 =	vmax.f32 v1, v12  }
0xa1: {  	v10 =	vld [tilespmem:s5+$0x3EC0];
	v5 =	vmax.f32 v5, v13  }
0xa2: {  	v6 =	vmax.f32 v6, v14;
	v11 =	vld [tilespmem:s5+$0x3ED0]  }
0xa3: {  	v7 =	vmax.f32 v7, v15;
	v12 =	vld [tilespmem:s5+$0x3EE0];
	s5 =	sshra.s32 s6, $0x2;
	s6 =	sadd.s32 $0x200, s6  }
0xa4: {  	v13 =	vld [tilespmem:s5+$0x3EF0]  }
0xa5: {  	v14 =	vld [tilespmem:s5+$0x3E80]  }
0xa6: {  	v15 =	vld [tilespmem:s5+$0x3E90]  }
0xa7: {  	v16 =	vld [tilespmem:s5+$0x3EA0]  }
0xa8: {  	v17 =	vld [tilespmem:s5+$0x3EB0]  }
0xa9: {  	v18 =	vld [tilespmem:s5+$0x3EC0];
	s29 =	sadd.s32 $0x12C4B0, s4  }
0xaa: {  	v19 =	vld [tilespmem:s5+$0x3ED0];
	s6 =	simm.s32 $0x0;
	s7 =	simm.s32 $0x3E80;
	s30 =	simm.s32 $0x1  }
0xab: {  	v20 =	vld [tilespmem:s5+$0x3EE0];
	[tilespmem:s7], [sflag:$0x2] =	stream.linear.gather [hbm4b:s29+s6], $0x3E80, $0x38  }
0xac: {  	_ =	swait.ge [sflag:s30], $0x3E80  }
0xad: {  	[sflag:s30] =	ssyncset.done $0x0  }
0xae: {  	s31 =	simm.s32 $0x0;
	[sflag:s30] =	ssyncadd.s32 $0xFFFFC180  }
0xaf: {  	v21 =	vld [tilespmem:s31+$0x70]  }
0xb0: {  	v22 =	vld [tilespmem:s31+$0x0]  }
0xb1: {  	v2 =	vmax.f32 v2, v8;
	v23 =	vld [tilespmem:s31+$0x10]  }
0xb2: {  	v0 =	vmax.f32 v0, v9;
	v3 =	vmax.f32 v3, v10;
	v4 =	vmax.f32 v4, v11;
	v8 =	vld [tilespmem:s31+$0x20]  }
0xb3: {  	v1 =	vmax.f32 v1, v12;
	v5 =	vmax.f32 v5, v13;
	v6 =	vmax.f32 v6, v14;
	v9 =	vld [tilespmem:s31+$0x30]  }
0xb4: {  	v7 =	vmax.f32 v7, v15;
	v2 =	vmax.f32 v2, v16;
	v0 =	vmax.f32 v0, v17;
	v10 =	vld [tilespmem:s31+$0x40]  }
0xb5: {  	v3 =	vmax.f32 v3, v18;
	v4 =	vmax.f32 v4, v19;
	v1 =	vmax.f32 v1, v20;
	v11 =	vld [tilespmem:s31+$0x50]  }
0xb6: {  	s5 =	simm.s32 $0x80;
	s6 =	simm.s32 $0x400;
	v12 =	vld [tilespmem:s31+$0x60];
	v5 =	vmax.f32 v5, v21;
	v6 =	vmax.f32 v6, v22;
	v7 =	vmax.f32 v7, v23  }
.LBB2_13:
0xb7: {  	p0 =	sne.s32 s6, $0xF800;
	v13 =	vld [tilespmem:s5+$0x70];
	v2 =	vmax.f32 v2, v8  }
0xb8: {  	v14 =	vld [tilespmem:s5+$0x0];
	v0 =	vmax.f32 v0, v9  }
0xb9: {  	v15 =	vld [tilespmem:s5+$0x10];
	v3 =	vmax.f32 v3, v10  }
.Ltmp6:
0xba: {  	v8 =	vld [tilespmem:s5+$0x20];
	v4 =	vmax.f32 v4, v11;
	(pc) =	sbr.rel @p0 .LBB2_13-.Ltmp6, $4  }
0xbb: {  	v9 =	vld [tilespmem:s5+$0x30];
	v1 =	vmax.f32 v1, v12  }
0xbc: {  	v10 =	vld [tilespmem:s5+$0x40];
	v5 =	vmax.f32 v5, v13  }
0xbd: {  	v6 =	vmax.f32 v6, v14;
	v11 =	vld [tilespmem:s5+$0x50]  }
0xbe: {  	v7 =	vmax.f32 v7, v15;
	v12 =	vld [tilespmem:s5+$0x60];
	s5 =	sshra.s32 s6, $0x2;
	s6 =	sadd.s32 $0x200, s6  }
0xbf: {  	v13 =	vld [tilespmem:s5+$0x70]  }
0xc0: {  	v14 =	vld [tilespmem:s5+$0x0]  }
0xc1: {  	v15 =	vld [tilespmem:s5+$0x10]  }
0xc2: {  	v16 =	vld [tilespmem:s5+$0x20]  }
0xc3: {  	v17 =	vld [tilespmem:s5+$0x30]  }
0xc4: {  	v18 =	vld [tilespmem:s5+$0x40]  }
0xc5: {  	v19 =	vld [tilespmem:s5+$0x50];
	s30 =	sadd.s32 $0x12CC80, s4;
	s6 =	simm.s32 $0x0;
	s31 =	simm.s32 $0x2  }
0xc6: {  	v20 =	vld [tilespmem:s5+$0x60];
	[tilespmem:s6], [sflag:$0x1] =	stream.linear.gather [hbm4b:s30+s6], $0x3E80, $0x38  }
0xc7: {  	_ =	swait.ge [sflag:s31], $0x3E80  }
0xc8: {  	[sflag:s31] =	ssyncset.done $0x0  }
0xc9: {  	s7 =	simm.s32 $0x0;
	[sflag:s31] =	ssyncadd.s32 $0xFFFFC180  }
0xca: {  	v21 =	vld [tilespmem:s7+$0x3EF0]  }
0xcb: {  	v22 =	vld [tilespmem:s7+$0x3E80]  }
0xcc: {  	v2 =	vmax.f32 v2, v8;
	v23 =	vld [tilespmem:s7+$0x3E90]  }
0xcd: {  	v0 =	vmax.f32 v0, v9;
	v3 =	vmax.f32 v3, v10;
	v4 =	vmax.f32 v4, v11;
	v8 =	vld [tilespmem:s7+$0x3EA0]  }
0xce: {  	v1 =	vmax.f32 v1, v12;
	v5 =	vmax.f32 v5, v13;
	v6 =	vmax.f32 v6, v14;
	v9 =	vld [tilespmem:s7+$0x3EB0]  }
0xcf: {  	v7 =	vmax.f32 v7, v15;
	v2 =	vmax.f32 v2, v16;
	v0 =	vmax.f32 v0, v17;
	v10 =	vld [tilespmem:s7+$0x3EC0]  }
0xd0: {  	v3 =	vmax.f32 v3, v18;
	v4 =	vmax.f32 v4, v19;
	v1 =	vmax.f32 v1, v20;
	v11 =	vld [tilespmem:s7+$0x3ED0]  }
0xd1: {  	s5 =	simm.s32 $0x80;
	s6 =	simm.s32 $0x400;
	v12 =	vld [tilespmem:s7+$0x3EE0];
	v5 =	vmax.f32 v5, v21;
	v6 =	vmax.f32 v6, v22;
	v7 =	vmax.f32 v7, v23  }
.LBB2_15:
0xd2: {  	p0 =	sne.s32 s6, $0xF800;
	v13 =	vld [tilespmem:s5+$0x3EF0];
	v2 =	vmax.f32 v2, v8  }
0xd3: {  	v14 =	vld [tilespmem:s5+$0x3E80];
	v0 =	vmax.f32 v0, v9  }
0xd4: {  	v15 =	vld [tilespmem:s5+$0x3E90];
	v3 =	vmax.f32 v3, v10  }
.Ltmp7:
0xd5: {  	v8 =	vld [tilespmem:s5+$0x3EA0];
	v4 =	vmax.f32 v4, v11;
	(pc) =	sbr.rel @p0 .LBB2_15-.Ltmp7, $4  }
0xd6: {  	v9 =	vld [tilespmem:s5+$0x3EB0];
	v1 =	vmax.f32 v1, v12  }
0xd7: {  	v10 =	vld [tilespmem:s5+$0x3EC0];
	v5 =	vmax.f32 v5, v13  }
0xd8: {  	v6 =	vmax.f32 v6, v14;
	v11 =	vld [tilespmem:s5+$0x3ED0]  }
0xd9: {  	v7 =	vmax.f32 v7, v15;
	v12 =	vld [tilespmem:s5+$0x3EE0];
	s5 =	sshra.s32 s6, $0x2;
	s6 =	sadd.s32 $0x200, s6  }
0xda: {  	v13 =	vld [tilespmem:s5+$0x3EF0]  }
0xdb: {  	v14 =	vld [tilespmem:s5+$0x3E80]  }
0xdc: {  	v15 =	vld [tilespmem:s5+$0x3E90]  }
0xdd: {  	v16 =	vld [tilespmem:s5+$0x3EA0]  }
0xde: {  	v17 =	vld [tilespmem:s5+$0x3EB0]  }
0xdf: {  	v18 =	vld [tilespmem:s5+$0x3EC0];
	s29 =	sadd.s32 $0x12D450, s4  }
0xe0: {  	v19 =	vld [tilespmem:s5+$0x3ED0];
	s6 =	simm.s32 $0x0;
	s7 =	simm.s32 $0x3E80;
	s30 =	simm.s32 $0x1  }
0xe1: {  	v20 =	vld [tilespmem:s5+$0x3EE0];
	[tilespmem:s7], [sflag:$0x2] =	stream.linear.gather [hbm4b:s29+s6], $0x3E80, $0x38  }
0xe2: {  	_ =	swait.ge [sflag:s30], $0x3E80  }
0xe3: {  	[sflag:s30] =	ssyncset.done $0x0  }
0xe4: {  	s31 =	simm.s32 $0x0;
	[sflag:s30] =	ssyncadd.s32 $0xFFFFC180  }
0xe5: {  	v21 =	vld [tilespmem:s31+$0x70]  }
0xe6: {  	v22 =	vld [tilespmem:s31+$0x0]  }
0xe7: {  	v2 =	vmax.f32 v2, v8;
	v23 =	vld [tilespmem:s31+$0x10]  }
0xe8: {  	v0 =	vmax.f32 v0, v9;
	v3 =	vmax.f32 v3, v10;
	v4 =	vmax.f32 v4, v11;
	v8 =	vld [tilespmem:s31+$0x20]  }
0xe9: {  	v1 =	vmax.f32 v1, v12;
	v5 =	vmax.f32 v5, v13;
	v6 =	vmax.f32 v6, v14;
	v9 =	vld [tilespmem:s31+$0x30]  }
0xea: {  	v7 =	vmax.f32 v7, v15;
	v2 =	vmax.f32 v2, v16;
	v0 =	vmax.f32 v0, v17;
	v10 =	vld [tilespmem:s31+$0x40]  }
0xeb: {  	v3 =	vmax.f32 v3, v18;
	v4 =	vmax.f32 v4, v19;
	v1 =	vmax.f32 v1, v20;
	v11 =	vld [tilespmem:s31+$0x50]  }
0xec: {  	s5 =	simm.s32 $0x80;
	s6 =	simm.s32 $0x400;
	v12 =	vld [tilespmem:s31+$0x60];
	v5 =	vmax.f32 v5, v21;
	v6 =	vmax.f32 v6, v22;
	v7 =	vmax.f32 v7, v23  }
.LBB2_17:
0xed: {  	p0 =	sne.s32 s6, $0xF800;
	v13 =	vld [tilespmem:s5+$0x70];
	v2 =	vmax.f32 v2, v8  }
0xee: {  	v14 =	vld [tilespmem:s5+$0x0];
	v0 =	vmax.f32 v0, v9  }
0xef: {  	v15 =	vld [tilespmem:s5+$0x10];
	v3 =	vmax.f32 v3, v10  }
.Ltmp8:
0xf0: {  	v8 =	vld [tilespmem:s5+$0x20];
	v4 =	vmax.f32 v4, v11;
	(pc) =	sbr.rel @p0 .LBB2_17-.Ltmp8, $4  }
0xf1: {  	v9 =	vld [tilespmem:s5+$0x30];
	v1 =	vmax.f32 v1, v12  }
0xf2: {  	v10 =	vld [tilespmem:s5+$0x40];
	v5 =	vmax.f32 v5, v13  }
0xf3: {  	v6 =	vmax.f32 v6, v14;
	v11 =	vld [tilespmem:s5+$0x50]  }
0xf4: {  	v7 =	vmax.f32 v7, v15;
	v12 =	vld [tilespmem:s5+$0x60];
	s5 =	sshra.s32 s6, $0x2;
	s6 =	sadd.s32 $0x200, s6  }
0xf5: {  	v13 =	vld [tilespmem:s5+$0x70]  }
0xf6: {  	v14 =	vld [tilespmem:s5+$0x0]  }
0xf7: {  	v15 =	vld [tilespmem:s5+$0x10]  }
0xf8: {  	v16 =	vld [tilespmem:s5+$0x20]  }
0xf9: {  	v17 =	vld [tilespmem:s5+$0x30]  }
0xfa: {  	v18 =	vld [tilespmem:s5+$0x40]  }
0xfb: {  	v19 =	vld [tilespmem:s5+$0x50];
	s30 =	sadd.s32 $0x12DC20, s4;
	s6 =	simm.s32 $0x0;
	s31 =	simm.s32 $0x2  }
0xfc: {  	v20 =	vld [tilespmem:s5+$0x60];
	[tilespmem:s6], [sflag:$0x1] =	stream.linear.gather [hbm4b:s30+s6], $0x3E80, $0x38  }
0xfd: {  	_ =	swait.ge [sflag:s31], $0x3E80  }
0xfe: {  	[sflag:s31] =	ssyncset.done $0x0  }
0xff: {  	s7 =	simm.s32 $0x0;
	[sflag:s31] =	ssyncadd.s32 $0xFFFFC180  }
0x100: {  	v21 =	vld [tilespmem:s7+$0x3EF0]  }
0x101: {  	v22 =	vld [tilespmem:s7+$0x3E80]  }
0x102: {  	v2 =	vmax.f32 v2, v8;
	v23 =	vld [tilespmem:s7+$0x3E90]  }
0x103: {  	v0 =	vmax.f32 v0, v9;
	v3 =	vmax.f32 v3, v10;
	v4 =	vmax.f32 v4, v11;
	v8 =	vld [tilespmem:s7+$0x3EA0]  }
0x104: {  	v1 =	vmax.f32 v1, v12;
	v5 =	vmax.f32 v5, v13;
	v6 =	vmax.f32 v6, v14;
	v9 =	vld [tilespmem:s7+$0x3EB0]  }
0x105: {  	v7 =	vmax.f32 v7, v15;
	v2 =	vmax.f32 v2, v16;
	v0 =	vmax.f32 v0, v17;
	v10 =	vld [tilespmem:s7+$0x3EC0]  }
0x106: {  	v3 =	vmax.f32 v3, v18;
	v4 =	vmax.f32 v4, v19;
	v1 =	vmax.f32 v1, v20;
	v11 =	vld [tilespmem:s7+$0x3ED0]  }
0x107: {  	s5 =	simm.s32 $0x80;
	s6 =	simm.s32 $0x400;
	v12 =	vld [tilespmem:s7+$0x3EE0];
	v5 =	vmax.f32 v5, v21;
	v6 =	vmax.f32 v6, v22;
	v7 =	vmax.f32 v7, v23  }
.LBB2_19:
0x108: {  	p0 =	sne.s32 s6, $0xF800;
	v13 =	vld [tilespmem:s5+$0x3EF0];
	v2 =	vmax.f32 v2, v8  }
0x109: {  	v14 =	vld [tilespmem:s5+$0x3E80];
	v0 =	vmax.f32 v0, v9  }
0x10a: {  	v15 =	vld [tilespmem:s5+$0x3E90];
	v3 =	vmax.f32 v3, v10  }
.Ltmp9:
0x10b: {  	v8 =	vld [tilespmem:s5+$0x3EA0];
	v4 =	vmax.f32 v4, v11;
	(pc) =	sbr.rel @p0 .LBB2_19-.Ltmp9, $4  }
0x10c: {  	v9 =	vld [tilespmem:s5+$0x3EB0];
	v1 =	vmax.f32 v1, v12  }
0x10d: {  	v10 =	vld [tilespmem:s5+$0x3EC0];
	v5 =	vmax.f32 v5, v13  }
0x10e: {  	v6 =	vmax.f32 v6, v14;
	v11 =	vld [tilespmem:s5+$0x3ED0]  }
0x10f: {  	v7 =	vmax.f32 v7, v15;
	v12 =	vld [tilespmem:s5+$0x3EE0];
	s5 =	sshra.s32 s6, $0x2;
	s6 =	sadd.s32 $0x200, s6  }
0x110: {  	v13 =	vld [tilespmem:s5+$0x3EF0]  }
0x111: {  	v14 =	vld [tilespmem:s5+$0x3E80]  }
0x112: {  	v15 =	vld [tilespmem:s5+$0x3E90]  }
0x113: {  	v16 =	vld [tilespmem:s5+$0x3EA0]  }
0x114: {  	v17 =	vld [tilespmem:s5+$0x3EB0]  }
0x115: {  	v18 =	vld [tilespmem:s5+$0x3EC0];
	s4 =	sadd.s32 $0x12E3F0, s4  }
0x116: {  	v19 =	vld [tilespmem:s5+$0x3ED0];
	s29 =	simm.s32 $0x0;
	s6 =	simm.s32 $0x3E80;
	s30 =	simm.s32 $0x1  }
0x117: {  	v20 =	vld [tilespmem:s5+$0x3EE0];
	[tilespmem:s6], [sflag:$0x2] =	stream.linear.gather [hbm4b:s4+s29], $0x3E80, $0x38  }
0x118: {  	_ =	swait.ge [sflag:s30], $0x3E80  }
0x119: {  	[sflag:s30] =	ssyncset.done $0x0  }
0x11a: {  	s31 =	simm.s32 $0x0;
	[sflag:s30] =	ssyncadd.s32 $0xFFFFC180  }
0x11b: {  	v21 =	vld [tilespmem:s31+$0x70]  }
0x11c: {  	v22 =	vld [tilespmem:s31+$0x0]  }
0x11d: {  	v2 =	vmax.f32 v2, v8;
	v23 =	vld [tilespmem:s31+$0x10]  }
0x11e: {  	v0 =	vmax.f32 v0, v9;
	v3 =	vmax.f32 v3, v10;
	v4 =	vmax.f32 v4, v11;
	v8 =	vld [tilespmem:s31+$0x20]  }
0x11f: {  	v1 =	vmax.f32 v1, v12;
	v5 =	vmax.f32 v5, v13;
	v6 =	vmax.f32 v6, v14;
	v9 =	vld [tilespmem:s31+$0x30]  }
0x120: {  	v7 =	vmax.f32 v7, v15;
	v2 =	vmax.f32 v2, v16;
	v0 =	vmax.f32 v0, v17;
	v10 =	vld [tilespmem:s31+$0x40]  }
0x121: {  	v3 =	vmax.f32 v3, v18;
	v4 =	vmax.f32 v4, v19;
	v1 =	vmax.f32 v1, v20;
	v11 =	vld [tilespmem:s31+$0x50]  }
0x122: {  	s5 =	simm.s32 $0x400;
	s4 =	simm.s32 $0x80;
	v12 =	vld [tilespmem:s31+$0x60];
	v5 =	vmax.f32 v5, v21;
	v6 =	vmax.f32 v6, v22;
	v7 =	vmax.f32 v7, v23  }
.LBB2_21:
0x123: {  	p0 =	sne.s32 s5, $0xF800;
	v13 =	vld [tilespmem:s4+$0x70];
	v2 =	vmax.f32 v2, v8  }
0x124: {  	v14 =	vld [tilespmem:s4+$0x0];
	v0 =	vmax.f32 v0, v9  }
0x125: {  	v15 =	vld [tilespmem:s4+$0x10];
	v3 =	vmax.f32 v3, v10  }
.Ltmp10:
0x126: {  	v8 =	vld [tilespmem:s4+$0x20];
	v4 =	vmax.f32 v4, v11;
	(pc) =	sbr.rel @p0 .LBB2_21-.Ltmp10, $4  }
0x127: {  	v9 =	vld [tilespmem:s4+$0x30];
	v1 =	vmax.f32 v1, v12  }
0x128: {  	v10 =	vld [tilespmem:s4+$0x40];
	v5 =	vmax.f32 v5, v13  }
0x129: {  	v6 =	vmax.f32 v6, v14;
	v11 =	vld [tilespmem:s4+$0x50]  }
0x12a: {  	v7 =	vmax.f32 v7, v15;
	v12 =	vld [tilespmem:s4+$0x60];
	s4 =	sshra.s32 s5, $0x2;
	s5 =	sadd.s32 $0x200, s5  }
0x12b: {  	v13 =	vld [tilespmem:s4+$0x70]  }
0x12c: {  	v14 =	vld [tilespmem:s4+$0x0]  }
0x12d: {  	v15 =	vld [tilespmem:s4+$0x10]  }
0x12e: {  	v16 =	vld [tilespmem:s4+$0x20]  }
0x12f: {  	v17 =	vld [tilespmem:s4+$0x30]  }
0x130: {  	v18 =	vld [tilespmem:s4+$0x40]  }
0x131: {  	v19 =	vld [tilespmem:s4+$0x50];
	s31 =	simm.s32 $0x2  }
0x132: {  	v20 =	vld [tilespmem:s4+$0x60];
	_ =	swait.ge [sflag:s31], $0x3E80  }
0x133: {  	[sflag:s31] =	ssyncset.done $0x0  }
0x134: {  	s6 =	simm.s32 $0x0;
	[sflag:s31] =	ssyncadd.s32 $0xFFFFC180  }
0x135: {  	v21 =	vld [tilespmem:s6+$0x3EF0]  }
0x136: {  	v22 =	vld [tilespmem:s6+$0x3E80]  }
0x137: {  	v2 =	vmax.f32 v2, v8;
	v23 =	vld [tilespmem:s6+$0x3E90]  }
0x138: {  	v0 =	vmax.f32 v0, v9;
	v3 =	vmax.f32 v3, v10;
	v9 =	vmax.f32 v4, v11;
	v8 =	vld [tilespmem:s6+$0x3EA0]  }
0x139: {  	v1 =	vmax.f32 v1, v12;
	v10 =	vmax.f32 v5, v13;
	v11 =	vmax.f32 v6, v14;
	v6 =	vld [tilespmem:s6+$0x3EB0]  }
0x13a: {  	v12 =	vmax.f32 v7, v15;
	v5 =	vmax.f32 v2, v16;
	v4 =	vmax.f32 v0, v17;
	v7 =	vld [tilespmem:s6+$0x3EC0]  }
0x13b: {  	v3 =	vmax.f32 v3, v18;
	v2 =	vmax.f32 v9, v19;
	v1 =	vmax.f32 v1, v20;
	v9 =	vld [tilespmem:s6+$0x3ED0]  }
0x13c: {  	s4 =	simm.s32 $0x80;
	s5 =	simm.s32 $0x400;
	v0 =	vmax.f32 v10, v21;
	v11 =	vmax.f32 v11, v22;
	v12 =	vmax.f32 v12, v23;
	v10 =	vld [tilespmem:s6+$0x3EE0]  }
.LBB2_23:
0x13d: {  	p0 =	sne.s32 s5, $0xF800;
	v13 =	vld [tilespmem:s4+$0x3EF0];
	v5 =	vmax.f32 v5, v8  }
0x13e: {  	v14 =	vld [tilespmem:s4+$0x3E80];
	v4 =	vmax.f32 v4, v6  }
0x13f: {  	v15 =	vld [tilespmem:s4+$0x3E90];
	v3 =	vmax.f32 v3, v7  }
.Ltmp11:
0x140: {  	v8 =	vld [tilespmem:s4+$0x3EA0];
	v2 =	vmax.f32 v2, v9;
	(pc) =	sbr.rel @p0 .LBB2_23-.Ltmp11, $4  }
0x141: {  	v6 =	vld [tilespmem:s4+$0x3EB0];
	v1 =	vmax.f32 v1, v10  }
0x142: {  	v7 =	vld [tilespmem:s4+$0x3EC0];
	v0 =	vmax.f32 v0, v13  }
0x143: {  	v11 =	vmax.f32 v11, v14;
	v9 =	vld [tilespmem:s4+$0x3ED0]  }
0x144: {  	v12 =	vmax.f32 v12, v15;
	v10 =	vld [tilespmem:s4+$0x3EE0];
	s4 =	sshra.s32 s5, $0x2;
	s5 =	sadd.s32 $0x200, s5  }
0x145: {  	v13 =	vld [tilespmem:s4+$0x3EF0]  }
0x146: {  	v14 =	vld [tilespmem:s4+$0x3E80]  }
0x147: {  	v15 =	vld [tilespmem:s4+$0x3E90]  }
0x148: {  	v16 =	vld [tilespmem:s4+$0x3EA0]  }
0x149: {  	v17 =	vld [tilespmem:s4+$0x3EB0]  }
0x14a: {  	v18 =	vld [tilespmem:s4+$0x3EC0]  }
0x14b: {  	v19 =	vld [tilespmem:s4+$0x3ED0];
	v11 =	vmax.f32 v11, v14  }
0x14c: {  	v62 =	vld [tilespmem:s4+$0x3EE0];
	v5 =	vmax.f32 v5, v8;
	v63 =	vmax.f32 v12, v15;
	[tilespmem:$0x7D00] =	vst v11  }
0x14d: {  	v4 =	vmax.f32 v4, v6;
	v5 =	vmax.f32 v5, v16;
	[tilespmem:$0x7D10] =	vst v63  }
0x14e: {  	v3 =	vmax.f32 v3, v7;
	v4 =	vmax.f32 v4, v17;
	[tilespmem:$0x7D20] =	vst v5  }
0x14f: {  	v2 =	vmax.f32 v2, v9;
	v3 =	vmax.f32 v3, v18;
	[tilespmem:$0x7D30] =	vst v4  }
0x150: {  	v1 =	vmax.f32 v1, v10;
	v2 =	vmax.f32 v2, v19;
	[tilespmem:$0x7D40] =	vst v3  }
0x151: {  	v1 =	vmax.f32 v1, v62;
	[tilespmem:$0x7D50] =	vst v2  }
0x152: {  	s31 =	sshll.u32 s3, $0x7;
	v0 =	vmax.f32 v0, v13;
	[tilespmem:$0x7D60] =	vst v1  }
0x153: {  	s5 =	simm.s32 $0x7D00;
	s4 =	sadd.s32 s31, s2;
	[tilespmem:$0x7D70] =	vst v0  }
0x154: {  	[spmem:s4] =	stream.linear.scatter [tilespmem:s5], [sflag:$0x3], $0x80, $0x38;
	[tilespmem:$0x8600] =	vst v63  }
0x155: {  	s4 =	simm.s32 $0x3  }
0x156: {  	_ =	swait.ge [sflag:s4], $0x80  }
0x157: {  	[sflag:s4] =	ssyncset.done $0x0  }
0x158: {  	[sflag:s4] =	ssyncadd.s32 $0xFFFFFF80  }
0x159: {  	p0 =	sne.s32 s3, $0x0;
	[bflag:$0x0] =	sbarrier.arrive $0xFFFF  }
0x15a: {  	_ =	sfence.sel @p0 $0x180000  }
0x15b: {  	[bflag:$0x0] =	sbarrier.arrive @p0 $0xFFFF  }
0x15c: {  	_ =	strace @p0 $0x90000047  }
0x15d: {  	[bflag:$0x2] =	sbarrier.arrive @p0 $0xFFFF  }
0x15e: {  	_ =	shalt @p0  }
.LBB2_25:
0x15f: {  	s3 =	simm.s32 $0x7D80  }
0x160: {  	[tilespmem:s3], [sflag:$0x3] =	stream.linear.gather [spmem:s2], $0x800, $0x38;
	[tilespmem:$0x8600] =	vst v63  }
0x161: {  	_ =	swait.ge [sflag:s4], $0x800  }
0x162: {  	[sflag:s4] =	ssyncset.done $0x0  }
0x163: {  	[sflag:s4] =	ssyncadd.s32 $0xFFFFF800  }
0x164: {  	v9 =	vld [tilespmem:$0x7D80]  }
0x165: {  	v11 =	vld [tilespmem:$0x7D90]  }
0x166: {  	v5 =	vld [tilespmem:$0x7DA0]  }
0x167: {  	v4 =	vld [tilespmem:$0x7DB0]  }
0x168: {  	v2 =	vld [tilespmem:$0x7DC0]  }
0x169: {  	v1 =	vld [tilespmem:$0x7DD0]  }
0x16a: {  	v0 =	vld [tilespmem:$0x7DE0]  }
0x16b: {  	s31 =	simm.s32 $0x0;
	v3 =	vld [tilespmem:$0x7DF0]  }
0x16c: {  	v10 =	vld [tilespmem:s31+$0x7E70]  }
0x16d: {  	v13 =	vld [tilespmem:s31+$0x7E00]  }
0x16e: {  	v14 =	vld [tilespmem:s31+$0x7E10]  }
0x16f: {  	v12 =	vld [tilespmem:s31+$0x7E20]  }
0x170: {  	v8 =	vld [tilespmem:s31+$0x7E30]  }
0x171: {  	v7 =	vld [tilespmem:s31+$0x7E40]  }
0x172: {  	v6 =	vld [tilespmem:s31+$0x7E50]  }
0x173: {  	s2 =	simm.s32 $0x80;
	s3 =	simm.s32 $0x400;
	v3 =	vmax.f32 v3, v10;
	v10 =	vmax.f32 v9, v13;
	v11 =	vmax.f32 v11, v14;
	v9 =	vld [tilespmem:s31+$0x7E60]  }
.LBB2_26:
0x174: {  	p0 =	sne.s32 s3, $0x1C00;
	v13 =	vld [tilespmem:s2+$0x7E70];
	v5 =	vmax.f32 v5, v12  }
0x175: {  	v14 =	vld [tilespmem:s2+$0x7E00];
	v4 =	vmax.f32 v4, v8  }
0x176: {  	v15 =	vld [tilespmem:s2+$0x7E10];
	v2 =	vmax.f32 v2, v7  }
.Ltmp12:
0x177: {  	v12 =	vld [tilespmem:s2+$0x7E20];
	v1 =	vmax.f32 v1, v6;
	(pc) =	sbr.rel @p0 .LBB2_26-.Ltmp12, $4  }
0x178: {  	v8 =	vld [tilespmem:s2+$0x7E30];
	v0 =	vmax.f32 v0, v9  }
0x179: {  	v7 =	vld [tilespmem:s2+$0x7E40];
	v3 =	vmax.f32 v3, v13  }
0x17a: {  	v10 =	vmax.f32 v10, v14;
	v6 =	vld [tilespmem:s2+$0x7E50]  }
0x17b: {  	v11 =	vmax.f32 v11, v15;
	v9 =	vld [tilespmem:s2+$0x7E60];
	s2 =	sshra.s32 s3, $0x2;
	s3 =	sadd.s32 $0x200, s3  }
0x17c: {  	v13 =	vld [tilespmem:s2+$0x7E70]  }
0x17d: {  	v14 =	vld [tilespmem:s2+$0x7E00]  }
0x17e: {  	v15 =	vld [tilespmem:s2+$0x7E10]  }
0x17f: {  	v16 =	vld [tilespmem:s2+$0x7E20]  }
0x180: {  	v17 =	vld [tilespmem:s2+$0x7E30]  }
0x181: {  	v18 =	vld [tilespmem:s2+$0x7E40]  }
0x182: {  	v19 =	vld [tilespmem:s2+$0x7E50];
	v10 =	vmax.f32 v10, v14  }
0x183: {  	v62 =	vld [tilespmem:s2+$0x7E60];
	v5 =	vmax.f32 v5, v12;
	v11 =	vmax.f32 v11, v15;
	[tilespmem:$0x7D00] =	vst v10  }
0x184: {  	v4 =	vmax.f32 v4, v8;
	v5 =	vmax.f32 v5, v16;
	[tilespmem:$0x7D10] =	vst v11  }
0x185: {  	v2 =	vmax.f32 v2, v7;
	v4 =	vmax.f32 v4, v17;
	[tilespmem:$0x7D20] =	vst v5  }
0x186: {  	v1 =	vmax.f32 v1, v6;
	v2 =	vmax.f32 v2, v18;
	[tilespmem:$0x7D30] =	vst v4  }
0x187: {  	v0 =	vmax.f32 v0, v9;
	v1 =	vmax.f32 v1, v19;
	[tilespmem:$0x7D40] =	vst v2  }
0x188: {  	v0 =	vmax.f32 v0, v62;
	[tilespmem:$0x7D50] =	vst v1  }
0x189: {  	v63 =	vmax.f32 v3, v13;
	[tilespmem:$0x7D60] =	vst v0  }
0x18a: {  	s30 =	simm.s32 $0x0;
	s3 =	simm.s32 $0x7D00;
	s31 =	simm.s32 $0x3;
	[tilespmem:$0x7D70] =	vst v63  }
0x18b: {  	[hbm4b:s1+s30] =	stream.linear.scatter [tilespmem:s3], [sflag:$0x3], $0x80, $0x38;
	[tilespmem:$0x8600] =	vst v63  }
0x18c: {  	_ =	swait.ge [sflag:s31], $0x80  }
0x18d: {  	[sflag:s31] =	ssyncset.done $0x0  }
0x18e: {  	[sflag:s31] =	ssyncadd.s32 $0xFFFFFF80  }
0x18f: {  	_ =	sfence.sel $0x180000  }
0x190: {  	[bflag:$0x0] =	sbarrier.arrive $0xFFFF  }
0x191: {  	_ =	strace $0x90000047  }
0x192: {  	s0 =	sadd.s32 $0x100000, s0;
	[bflag:$0x2] =	sbarrier.arrive $0xFFFF  }
0x193: {  	[sflag:s0] =	ssyncadd.tile.s32 $0x1;
	_ =	shalt  }
.Lfunc_end2:
_tile_overlayer_lowered:
.L_overlay_start_2:
0x194: {  	(tag) =	ssettag $0x2  }
0x195: {  	s0 =	rddreg [dreg:$0x0];
	s2 =	stileid.u32  }
0x196: {  	s1 =	rddreg [dreg:$0x1];
	p0 =	sne.s32 s2, $0x0  }
0x197: {  	s3 =	rddreg [dreg:$0x2];
	[bflag:$0x3] =	sbarrier.arrive $0xFFFF;
	s2 =	simm.s32 @!p0 $0x1C03  }
0x198: {  	[timem:s3], [sflag:s2] =	dma.local @!p0 [hbm:s0], s1  }
0x199: {  	s0 =	simm.s32 @!p0 $0x3  }
0x19a: {  	_ =	swait.ge @!p0 [sflag:s0], s1  }
0x19b: {  	s1 =	ssub.s32 @!p0 $0x0, s1;
	[sflag:s0] =	ssyncset.done @!p0 $0x0  }
0x19c: {  	[sflag:s0] =	ssyncadd.s32 @!p0 s1  }
0x19d: {  	[bflag:$0x3] =	sbarrier.arrive $0xFFFF  }
0x19e: {  	_ =	shalt  }

</sc_bundles>
